<compile_context>
chip_gen: v7x
topology: tpu7x:2x2x1
jax: 0.10.2.dev20260603
libtpu: 0.0.44.dev20260713+nightly
codegen_flags: <defaults>
</compile_context>

<pallas_src>
import jax
import jax.numpy as jnp
from jax import lax
from jax.experimental import pallas as pl
from jax.experimental.pallas import tpu as pltpu
from jax.experimental.pallas import tpu_sc as plsc

N = 10000
E = 320000
D = 128
NP = 10240
NC = 2
NS = 16
NW = NC * NS
CH = 128
NCHUNK = 79
EP = NW * NCHUNK * CH
RPT = NP // NS


def _mesh():
    return plsc.VectorSubcoreMesh(
        core_axis_name="c", subcore_axis_name="s", num_cores=NC, num_subcores=NS
    )


def _make_agg():

    def body(h_hbm, src_hbm, dst_hbm, zf_hbm, acc_out,
             src_v, dst_v, rows_v, acc_sh, sem):
        cid = lax.axis_index("c")
        sid = lax.axis_index("s")
        wid = cid * NS + sid

        pltpu.sync_copy(zf_hbm.at[pl.ds(sid * RPT, RPT)],
                        acc_sh.at[pl.ds(sid * RPT, RPT)])
        pltpu.sync_copy(src_hbm.at[wid], src_v)
        pltpu.sync_copy(dst_hbm.at[wid], dst_v)
        plsc.subcore_barrier()

        def chunk(c, carry):
            pltpu.async_copy(h_hbm.at[src_v.at[c]], rows_v, sem).wait()
            pltpu.sync_copy(rows_v, acc_sh.at[dst_v.at[c]], add=True)
            return carry

        lax.fori_loop(0, NCHUNK, chunk, 0)
        plsc.subcore_barrier()

        pltpu.sync_copy(acc_sh.at[pl.ds(sid * RPT, RPT)],
                        acc_out.at[cid, pl.ds(sid * RPT, RPT)])

    return pl.kernel(
        body,
        out_type=jax.ShapeDtypeStruct((NC, NP, D), jnp.float32),
        mesh=_mesh(),
        scratch_types=[
            pltpu.VMEM((NCHUNK, CH), jnp.int32),
            pltpu.VMEM((NCHUNK, CH), jnp.int32),
            pltpu.VMEM((CH, D), jnp.float32),
            pltpu.VMEM_SHARED((NP, D), jnp.float32),
            pltpu.SemaphoreType.DMA,
        ],
    )


def _make_cnt():

    def body(dst_hbm, zc_hbm, ones_hbm, cnt_out, dst_v, ones_v, cnt_sh):
        cid = lax.axis_index("c")
        sid = lax.axis_index("s")
        wid = cid * NS + sid

        pltpu.sync_copy(zc_hbm.at[pl.ds(sid * RPT, RPT)],
                        cnt_sh.at[pl.ds(sid * RPT, RPT)])
        pltpu.sync_copy(dst_hbm.at[wid], dst_v)
        pltpu.sync_copy(ones_hbm, ones_v)
        plsc.subcore_barrier()

        def chunk(c, carry):
            pltpu.sync_copy(ones_v, cnt_sh.at[dst_v.at[c]], add=True)
            return carry

        lax.fori_loop(0, NCHUNK, chunk, 0)
        plsc.subcore_barrier()

        pltpu.sync_copy(cnt_sh.at[pl.ds(sid * RPT, RPT)],
                        cnt_out.at[cid, pl.ds(sid * RPT, RPT)])

    return pl.kernel(
        body,
        out_type=jax.ShapeDtypeStruct((NC, NP, D), jnp.float32),
        mesh=_mesh(),
        scratch_types=[
            pltpu.VMEM((NCHUNK, CH), jnp.int32),
            pltpu.VMEM((CH, D), jnp.float32),
            pltpu.VMEM_SHARED((NP, D), jnp.float32),
        ],
    )


def _tc_layer(acc, cnt, h, wlT, wrT, b, act: str):
    BLK = 1024
    grid = (NP // BLK,)

    def body(acc_r, cnt_r, h_r, wl_r, wr_r, b_r, o_r):
        a = acc_r[0] + acc_r[1]
        c = cnt_r[0][:, :1] + cnt_r[1][:, :1]
        mean = a * (1.0 / jnp.maximum(c, 1.0))
        z = (jnp.dot(mean, wl_r[...], preferred_element_type=jnp.float32)
             + jnp.dot(h_r[...], wr_r[...], preferred_element_type=jnp.float32)
             + b_r[...])
        if act == "elu":
            o_r[...] = jnp.where(z > 0, z, jnp.exp(jnp.minimum(z, 0.0)) - 1.0)
        else:
            e = jnp.exp(-jnp.abs(z))
            o_r[...] = jnp.where(z >= 0, 1.0 / (1.0 + e), e / (1.0 + e))

    return pl.pallas_call(
        body,
        grid=grid,
        in_specs=[
            pl.BlockSpec((NC, BLK, D), lambda i: (0, i, 0)),
            pl.BlockSpec((NC, BLK, D), lambda i: (0, i, 0)),
            pl.BlockSpec((BLK, D), lambda i: (i, 0)),
            pl.BlockSpec((D, D), lambda i: (0, 0)),
            pl.BlockSpec((D, D), lambda i: (0, 0)),
            pl.BlockSpec((1, D), lambda i: (0, 0)),
        ],
        out_specs=pl.BlockSpec((BLK, D), lambda i: (i, 0)),
        out_shape=jax.ShapeDtypeStruct((NP, D), jnp.float32),
    )(acc, cnt, h, wlT, wrT, b)


def kernel(x, edge_index, Wl1, Wr1, b1, Wl2, Wr2, b2, Wl3, Wr3, b3, Wl4, Wr4, b4):
    f32 = jnp.float32
    pad_e = EP - E
    src = jnp.concatenate([edge_index[0], jnp.full((pad_e,), N, jnp.int32)])
    dst = jnp.concatenate([edge_index[1], jnp.full((pad_e,), N, jnp.int32)])
    src = src.reshape(NW, NCHUNK, CH)
    dst = dst.reshape(NW, NCHUNK, CH)

    h = jnp.zeros((NP, D), f32).at[:N].set(x.astype(f32))
    zf = jnp.zeros((NP, D), f32)
    ones = jnp.ones((CH, D), f32)

    wl4T = jnp.zeros((D, D), f32).at[:, :64].set(Wl4.T)
    wr4T = jnp.zeros((D, D), f32).at[:, :64].set(Wr4.T)
    b4p = jnp.zeros((1, D), f32).at[0, :64].set(b4)
    layers = [
        (Wl1.T, Wr1.T, b1.reshape(1, D), "elu"),
        (Wl2.T, Wr2.T, b2.reshape(1, D), "elu"),
        (Wl3.T, Wr3.T, b3.reshape(1, D), "elu"),
        (wl4T, wr4T, b4p, "sigmoid"),
    ]

    agg = _make_agg()
    cnt = _make_cnt()(dst, zf, ones)
    for wl, wr, b, act in layers:
        acc = agg(h, src, dst, zf)
        h = _tc_layer(acc, cnt, h, wl, wr, b, act)
    return h[:N, :64]

# --- scband reference (transcript-rebuilt; emitter-appended) ---
"""Pipeline reference for scband-sage-53532472377642 (READ-ONLY COPY).

The authoritative reference and input builder live on the scoring server;
editing this copy changes nothing except your own understanding.
"""

import jax, jax.numpy as jnp
import numpy as np

N = 10000
E = 320000
D = 128
H = 128
L = 64


def _glorot(key, shape):
    fan_in = shape[1]
    return jax.random.normal(key, shape, dtype=jnp.float32) / jnp.sqrt(jnp.float32(fan_in))


def setup_inputs(seed: int = 0) -> dict:
    key = jax.random.key(seed)
    ks = jax.random.split(key, 16)
    inp = {}
    inp["x"] = jax.random.normal(ks[0], (N, D), dtype=jnp.float32)
    inp["edge_index"] = jax.random.randint(ks[1], (2, E), 0, N, dtype=jnp.int32)
    # SAGEConv params: lin_l (neighbor aggregate, with bias), lin_r (root, no bias)
    inp["Wl1"] = _glorot(ks[2], (H, D)); inp["Wr1"] = _glorot(ks[3], (H, D)); inp["b1"] = jnp.zeros((H,), jnp.float32)
    inp["Wl2"] = _glorot(ks[4], (H, H)); inp["Wr2"] = _glorot(ks[5], (H, H)); inp["b2"] = jnp.zeros((H,), jnp.float32)
    inp["Wl3"] = _glorot(ks[6], (H, H)); inp["Wr3"] = _glorot(ks[7], (H, H)); inp["b3"] = jnp.zeros((H,), jnp.float32)
    inp["Wl4"] = _glorot(ks[8], (L, H)); inp["Wr4"] = _glorot(ks[9], (L, H)); inp["b4"] = jnp.zeros((L,), jnp.float32)
    return inp


def _sage_conv(x, edge_index, Wl, Wr, b):
    src = edge_index[0]
    dst = edge_index[1]
    msg = x[src]
    agg = jax.ops.segment_sum(msg, dst, num_segments=N)
    cnt = jax.ops.segment_sum(jnp.ones((edge_index.shape[1],), dtype=x.dtype), dst, num_segments=N)
    mean = agg / jnp.maximum(cnt, 1.0)[:, None]
    return mean @ Wl.T + x @ Wr.T + b


def reference(x, edge_index, Wl1, Wr1, b1, Wl2, Wr2, b2, Wl3, Wr3, b3, Wl4, Wr4, b4):
    # eval mode: dropout(p=0.2) is identity
    h = x.astype(jnp.float32)
    h = _sage_conv(h, edge_index, Wl1, Wr1, b1)
    h = jax.nn.elu(h)
    h = _sage_conv(h, edge_index, Wl2, Wr2, b2)
    h = jax.nn.elu(h)
    h = _sage_conv(h, edge_index, Wl3, Wr3, b3)
    h = jax.nn.elu(h)
    h = _sage_conv(h, edge_index, Wl4, Wr4, b4)
    return jax.nn.sigmoid(h)

if __name__ == "__main__":
    import jax
    _d = setup_inputs()
    print(jax.jit(kernel)(*tuple(_d.values())))

</pallas_src>

<mosaic_0001>
#map = affine_map<(d0, d1) -> (0, 0)>
#map1 = affine_map<(d0, d1) -> (0, 0, 0)>
module attributes {stable_mosaic.version = 14 : i64} {
  func.func @body(%arg0: i32, %arg1: i32, %arg2: memref<10240x128xf32, #tpu.memory_space<hbm>>, %arg3: memref<32x79x128xi32, #tpu.memory_space<hbm>>, %arg4: memref<32x79x128xi32, #tpu.memory_space<hbm>>, %arg5: memref<10240x128xf32, #tpu.memory_space<hbm>>, %arg6: memref<2x10240x128xf32, #tpu.memory_space<hbm>>, %arg7: memref<79x128xi32, #tpu.memory_space<vmem>>, %arg8: memref<79x128xi32, #tpu.memory_space<vmem>>, %arg9: memref<128x128xf32, #tpu.memory_space<vmem>>, %arg10: memref<10240x128xf32, #tpu.memory_space<vmem_shared>>, %arg11: memref<!tpu.dma_semaphore, #tpu.memory_space<semaphore_mem>>) attributes {dimension_semantics = [#tpu.dimension_semantics<core_parallel>, #tpu.dimension_semantics<subcore_parallel>], iteration_bounds = array<i64: 2, 16>, scalar_prefetch = 0 : i64, scratch_operands = 5 : i64, tpu.core_type = #tpu.core_type<sc_vector_subcore>, window_params = [{transform_indices = #map}, {transform_indices = #map1}, {transform_indices = #map1}, {transform_indices = #map}, {transform_indices = #map1}]} {
    %mul3A = arith.constant 16 : i32
    %mul3A_0 = arith.muli %arg0, %mul3A : i32
    %add3A = arith.addi %mul3A_0, %arg1 : i32
    %mul3A_1 = arith.constant 640 : i32
    %mul3A_2 = arith.muli %arg1, %mul3A_1 : i32
    %mul3A_3 = arith.constant 640 : i32
    %mul3A_4 = arith.muli %arg1, %mul3A_3 : i32
    "tpu.region"() ({
      %run_scoped3A = tpu.sem_alloc : memref<!tpu.dma_semaphore, #tpu.memory_space<semaphore_mem>>
      %dma_start3A = arith.constant 0 : i32
      %dma_start3A_15 = tpu.memref_slice %arg10[%mul3A_4, %dma_start3A] : memref<10240x128xf32, #tpu.memory_space<vmem_shared>> -> memref<640x128xf32, #tpu.memory_space<vmem_shared>>
      %dma_start3A_16 = arith.constant 0 : i32
      %dma_start3A_17 = tpu.memref_slice %arg5[%mul3A_2, %dma_start3A_16] : memref<10240x128xf32, #tpu.memory_space<hbm>> -> memref<640x128xf32, #tpu.memory_space<hbm>>
      tpu.enqueue_dma source(%dma_start3A_17 : memref<640x128xf32, #tpu.memory_space<hbm>>) target(%dma_start3A_15 : memref<640x128xf32, #tpu.memory_space<vmem_shared>>) target_semaphore(%run_scoped3A : memref<!tpu.dma_semaphore, #tpu.memory_space<semaphore_mem>>)
      %dma_wait3A = arith.constant 0 : i32
      %dma_wait3A_18 = tpu.memref_slice %arg10[%mul3A_4, %dma_wait3A] : memref<10240x128xf32, #tpu.memory_space<vmem_shared>> -> memref<640x128xf32, #tpu.memory_space<vmem_shared>>
      %dma_wait3A_19 = arith.constant 0 : i32
      %dma_wait3A_20 = tpu.memref_slice %arg5[%mul3A_2, %dma_wait3A_19] : memref<10240x128xf32, #tpu.memory_space<hbm>> -> memref<640x128xf32, #tpu.memory_space<hbm>>
      tpu.wait_dma2 semaphore(%run_scoped3A : memref<!tpu.dma_semaphore, #tpu.memory_space<semaphore_mem>>) src(%dma_wait3A_20 : memref<640x128xf32, #tpu.memory_space<hbm>>) dst(%dma_wait3A_18 : memref<640x128xf32, #tpu.memory_space<vmem_shared>>)
      tpu.yield
    }) : () -> ()
    "tpu.region"() ({
      %run_scoped3A = tpu.sem_alloc : memref<!tpu.dma_semaphore, #tpu.memory_space<semaphore_mem>>
      %dma_start3A = arith.constant 0 : i32
      %dma_start3A_15 = arith.constant 0 : i32
      %dma_start3A_16 = tpu.memref_slice %arg3[%add3A, %dma_start3A, %dma_start3A_15] : memref<32x79x128xi32, #tpu.memory_space<hbm>> -> memref<1x79x128xi32, #tpu.memory_space<hbm>>
      %dma_start3A_17 = tpu.memref_squeeze %dma_start3A_16 : memref<1x79x128xi32, #tpu.memory_space<hbm>> -> memref<79x128xi32, #tpu.memory_space<hbm>>
      %dma_start3A_18 = arith.constant 0 : i32
      %dma_start3A_19 = arith.constant 0 : i32
      %dma_start3A_20 = tpu.memref_slice %arg3[%add3A, %dma_start3A_18, %dma_start3A_19] : memref<32x79x128xi32, #tpu.memory_space<hbm>> -> memref<1x79x128xi32, #tpu.memory_space<hbm>>
      %dma_start3A_21 = tpu.memref_squeeze %dma_start3A_20 : memref<1x79x128xi32, #tpu.memory_space<hbm>> -> memref<79x128xi32, #tpu.memory_space<hbm>>
      tpu.enqueue_dma source(%dma_start3A_21 : memref<79x128xi32, #tpu.memory_space<hbm>>) target(%arg7 : memref<79x128xi32, #tpu.memory_space<vmem>>) target_semaphore(%run_scoped3A : memref<!tpu.dma_semaphore, #tpu.memory_space<semaphore_mem>>)
      %dma_wait3A = arith.constant 0 : i32
      %dma_wait3A_22 = arith.constant 0 : i32
      %dma_wait3A_23 = tpu.memref_slice %arg3[%add3A, %dma_wait3A, %dma_wait3A_22] : memref<32x79x128xi32, #tpu.memory_space<hbm>> -> memref<1x79x128xi32, #tpu.memory_space<hbm>>
      %dma_wait3A_24 = tpu.memref_squeeze %dma_wait3A_23 : memref<1x79x128xi32, #tpu.memory_space<hbm>> -> memref<79x128xi32, #tpu.memory_space<hbm>>
      %dma_wait3A_25 = arith.constant 0 : i32
      %dma_wait3A_26 = arith.constant 0 : i32
      %dma_wait3A_27 = tpu.memref_slice %arg3[%add3A, %dma_wait3A_25, %dma_wait3A_26] : memref<32x79x128xi32, #tpu.memory_space<hbm>> -> memref<1x79x128xi32, #tpu.memory_space<hbm>>
      %dma_wait3A_28 = tpu.memref_squeeze %dma_wait3A_27 : memref<1x79x128xi32, #tpu.memory_space<hbm>> -> memref<79x128xi32, #tpu.memory_space<hbm>>
      tpu.wait_dma2 semaphore(%run_scoped3A : memref<!tpu.dma_semaphore, #tpu.memory_space<semaphore_mem>>) src(%dma_wait3A_28 : memref<79x128xi32, #tpu.memory_space<hbm>>) dst(%arg7 : memref<79x128xi32, #tpu.memory_space<vmem>>)
      tpu.yield
    }) : () -> ()
    "tpu.region"() ({
      %run_scoped3A = tpu.sem_alloc : memref<!tpu.dma_semaphore, #tpu.memory_space<semaphore_mem>>
      %dma_start3A = arith.constant 0 : i32
      %dma_start3A_15 = arith.constant 0 : i32
      %dma_start3A_16 = tpu.memref_slice %arg4[%add3A, %dma_start3A, %dma_start3A_15] : memref<32x79x128xi32, #tpu.memory_space<hbm>> -> memref<1x79x128xi32, #tpu.memory_space<hbm>>
      %dma_start3A_17 = tpu.memref_squeeze %dma_start3A_16 : memref<1x79x128xi32, #tpu.memory_space<hbm>> -> memref<79x128xi32, #tpu.memory_space<hbm>>
      %dma_start3A_18 = arith.constant 0 : i32
      %dma_start3A_19 = arith.constant 0 : i32
      %dma_start3A_20 = tpu.memref_slice %arg4[%add3A, %dma_start3A_18, %dma_start3A_19] : memref<32x79x128xi32, #tpu.memory_space<hbm>> -> memref<1x79x128xi32, #tpu.memory_space<hbm>>
      %dma_start3A_21 = tpu.memref_squeeze %dma_start3A_20 : memref<1x79x128xi32, #tpu.memory_space<hbm>> -> memref<79x128xi32, #tpu.memory_space<hbm>>
      tpu.enqueue_dma source(%dma_start3A_21 : memref<79x128xi32, #tpu.memory_space<hbm>>) target(%arg8 : memref<79x128xi32, #tpu.memory_space<vmem>>) target_semaphore(%run_scoped3A : memref<!tpu.dma_semaphore, #tpu.memory_space<semaphore_mem>>)
      %dma_wait3A = arith.constant 0 : i32
      %dma_wait3A_22 = arith.constant 0 : i32
      %dma_wait3A_23 = tpu.memref_slice %arg4[%add3A, %dma_wait3A, %dma_wait3A_22] : memref<32x79x128xi32, #tpu.memory_space<hbm>> -> memref<1x79x128xi32, #tpu.memory_space<hbm>>
      %dma_wait3A_24 = tpu.memref_squeeze %dma_wait3A_23 : memref<1x79x128xi32, #tpu.memory_space<hbm>> -> memref<79x128xi32, #tpu.memory_space<hbm>>
      %dma_wait3A_25 = arith.constant 0 : i32
      %dma_wait3A_26 = arith.constant 0 : i32
      %dma_wait3A_27 = tpu.memref_slice %arg4[%add3A, %dma_wait3A_25, %dma_wait3A_26] : memref<32x79x128xi32, #tpu.memory_space<hbm>> -> memref<1x79x128xi32, #tpu.memory_space<hbm>>
      %dma_wait3A_28 = tpu.memref_squeeze %dma_wait3A_27 : memref<1x79x128xi32, #tpu.memory_space<hbm>> -> memref<79x128xi32, #tpu.memory_space<hbm>>
      tpu.wait_dma2 semaphore(%run_scoped3A : memref<!tpu.dma_semaphore, #tpu.memory_space<semaphore_mem>>) src(%dma_wait3A_28 : memref<79x128xi32, #tpu.memory_space<hbm>>) dst(%arg8 : memref<79x128xi32, #tpu.memory_space<vmem>>)
      tpu.yield
    }) : () -> ()
    %barrier3A = arith.constant 0 : index
    tpu.barrier barrier_id(%barrier3A)
    %scan3A = arith.constant 0 : i32
    %scan3A_5 = arith.constant 0 : i32
    %scan3A_6 = arith.constant 79 : i32
    %scan3A_7 = arith.addi %scan3A_5, %scan3A_6 : i32
    %scan3A_8 = arith.constant 1 : i32
    scf.for %scan3A_15 = %scan3A_5 to %scan3A_7 step %scan3A_8  : i32 {
      %dma_start3A = arith.constant 0 : i32
      %dma_start3A_16 = tpu.memref_slice %arg7[%scan3A_15, %dma_start3A] : memref<79x128xi32, #tpu.memory_space<vmem>> -> memref<1x128xi32, #tpu.memory_space<vmem>>
      %dma_start3A_17 = tpu.memref_squeeze %dma_start3A_16 : memref<1x128xi32, #tpu.memory_space<vmem>> -> memref<128xi32, #tpu.memory_space<vmem>>
      %dma_start3A_18 = arith.constant 0 : i32
      %dma_start3A_19 = arith.constant 0 : i32
      %dma_start3A_20 = tpu.memref_slice %arg2[%dma_start3A_18, %dma_start3A_19] : memref<10240x128xf32, #tpu.memory_space<hbm>> -> memref<10240x128xf32, #tpu.memory_space<hbm>>
      tpu.enqueue_indirect_dma source(%dma_start3A_20 : memref<10240x128xf32, #tpu.memory_space<hbm>>) target(%arg9 : memref<128x128xf32, #tpu.memory_space<vmem>>) offsets(%dma_start3A_17 : memref<128xi32, #tpu.memory_space<vmem>>) semaphore(%arg11 : memref<!tpu.dma_semaphore, #tpu.memory_space<semaphore_mem>>)
      %dma_wait3A = arith.constant 0 : i32
      %dma_wait3A_21 = tpu.memref_slice %arg7[%scan3A_15, %dma_wait3A] : memref<79x128xi32, #tpu.memory_space<vmem>> -> memref<1x128xi32, #tpu.memory_space<vmem>>
      %dma_wait3A_22 = tpu.memref_squeeze %dma_wait3A_21 : memref<1x128xi32, #tpu.memory_space<vmem>> -> memref<128xi32, #tpu.memory_space<vmem>>
      %dma_wait3A_23 = arith.constant 0 : i32
      %dma_wait3A_24 = arith.constant 0 : i32
      %dma_wait3A_25 = tpu.memref_slice %arg2[%dma_wait3A_23, %dma_wait3A_24] : memref<10240x128xf32, #tpu.memory_space<hbm>> -> memref<10240x128xf32, #tpu.memory_space<hbm>>
      tpu.wait_indirect_dma semaphore(%arg11 : memref<!tpu.dma_semaphore, #tpu.memory_space<semaphore_mem>>) src(%dma_wait3A_25 : memref<10240x128xf32, #tpu.memory_space<hbm>>) dst(%arg9 : memref<128x128xf32, #tpu.memory_space<vmem>>)
      "tpu.region"() ({
        %run_scoped3A = tpu.sem_alloc : memref<!tpu.dma_semaphore, #tpu.memory_space<semaphore_mem>>
        %dma_start3A_26 = arith.constant 0 : i32
        %dma_start3A_27 = tpu.memref_slice %arg8[%scan3A_15, %dma_start3A_26] : memref<79x128xi32, #tpu.memory_space<vmem>> -> memref<1x128xi32, #tpu.memory_space<vmem>>
        %dma_start3A_28 = tpu.memref_squeeze %dma_start3A_27 : memref<1x128xi32, #tpu.memory_space<vmem>> -> memref<128xi32, #tpu.memory_space<vmem>>
        %dma_start3A_29 = arith.constant 0 : i32
        %dma_start3A_30 = arith.constant 0 : i32
        %dma_start3A_31 = tpu.memref_slice %arg10[%dma_start3A_29, %dma_start3A_30] : memref<10240x128xf32, #tpu.memory_space<vmem_shared>> -> memref<10240x128xf32, #tpu.memory_space<vmem_shared>>
        tpu.enqueue_indirect_dma source(%arg9 : memref<128x128xf32, #tpu.memory_space<vmem>>) target(%dma_start3A_31 : memref<10240x128xf32, #tpu.memory_space<vmem_shared>>) offsets(%dma_start3A_28 : memref<128xi32, #tpu.memory_space<vmem>>) semaphore(%run_scoped3A : memref<!tpu.dma_semaphore, #tpu.memory_space<semaphore_mem>>) {add = true}
        %dma_wait3A_32 = arith.constant 0 : i32
        %dma_wait3A_33 = tpu.memref_slice %arg8[%scan3A_15, %dma_wait3A_32] : memref<79x128xi32, #tpu.memory_space<vmem>> -> memref<1x128xi32, #tpu.memory_space<vmem>>
        %dma_wait3A_34 = tpu.memref_squeeze %dma_wait3A_33 : memref<1x128xi32, #tpu.memory_space<vmem>> -> memref<128xi32, #tpu.memory_space<vmem>>
        %dma_wait3A_35 = arith.constant 0 : i32
        %dma_wait3A_36 = arith.constant 0 : i32
        %dma_wait3A_37 = tpu.memref_slice %arg10[%dma_wait3A_35, %dma_wait3A_36] : memref<10240x128xf32, #tpu.memory_space<vmem_shared>> -> memref<10240x128xf32, #tpu.memory_space<vmem_shared>>
        tpu.wait_indirect_dma semaphore(%run_scoped3A : memref<!tpu.dma_semaphore, #tpu.memory_space<semaphore_mem>>) src(%arg9 : memref<128x128xf32, #tpu.memory_space<vmem>>) dst(%dma_wait3A_37 : memref<10240x128xf32, #tpu.memory_space<vmem_shared>>)
        tpu.yield
      }) : () -> ()
    }
    %scan3A_9 = arith.constant 79 : i32
    %barrier3A_10 = arith.constant 0 : index
    tpu.barrier barrier_id(%barrier3A_10)
    %mul3A_11 = arith.constant 640 : i32
    %mul3A_12 = arith.muli %arg1, %mul3A_11 : i32
    %mul3A_13 = arith.constant 640 : i32
    %mul3A_14 = arith.muli %arg1, %mul3A_13 : i32
    "tpu.region"() ({
      %run_scoped3A = tpu.sem_alloc : memref<!tpu.dma_semaphore, #tpu.memory_space<semaphore_mem>>
      %dma_start3A = arith.constant 0 : i32
      %dma_start3A_15 = tpu.memref_slice %arg6[%arg0, %mul3A_14, %dma_start3A] : memref<2x10240x128xf32, #tpu.memory_space<hbm>> -> memref<1x640x128xf32, #tpu.memory_space<hbm>>
      %dma_start3A_16 = tpu.memref_squeeze %dma_start3A_15 : memref<1x640x128xf32, #tpu.memory_space<hbm>> -> memref<640x128xf32, #tpu.memory_space<hbm>>
      %dma_start3A_17 = arith.constant 0 : i32
      %dma_start3A_18 = tpu.memref_slice %arg10[%mul3A_12, %dma_start3A_17] : memref<10240x128xf32, #tpu.memory_space<vmem_shared>> -> memref<640x128xf32, #tpu.memory_space<vmem_shared>>
      tpu.enqueue_dma source(%dma_start3A_18 : memref<640x128xf32, #tpu.memory_space<vmem_shared>>) target(%dma_start3A_16 : memref<640x128xf32, #tpu.memory_space<hbm>>) target_semaphore(%run_scoped3A : memref<!tpu.dma_semaphore, #tpu.memory_space<semaphore_mem>>)
      %dma_wait3A = arith.constant 0 : i32
      %dma_wait3A_19 = tpu.memref_slice %arg6[%arg0, %mul3A_14, %dma_wait3A] : memref<2x10240x128xf32, #tpu.memory_space<hbm>> -> memref<1x640x128xf32, #tpu.memory_space<hbm>>
      %dma_wait3A_20 = tpu.memref_squeeze %dma_wait3A_19 : memref<1x640x128xf32, #tpu.memory_space<hbm>> -> memref<640x128xf32, #tpu.memory_space<hbm>>
      %dma_wait3A_21 = arith.constant 0 : i32
      %dma_wait3A_22 = tpu.memref_slice %arg10[%mul3A_12, %dma_wait3A_21] : memref<10240x128xf32, #tpu.memory_space<vmem_shared>> -> memref<640x128xf32, #tpu.memory_space<vmem_shared>>
      tpu.wait_dma2 semaphore(%run_scoped3A : memref<!tpu.dma_semaphore, #tpu.memory_space<semaphore_mem>>) src(%dma_wait3A_22 : memref<640x128xf32, #tpu.memory_space<vmem_shared>>) dst(%dma_wait3A_20 : memref<640x128xf32, #tpu.memory_space<hbm>>)
      tpu.yield
    }) : () -> ()
    return
  }
}

#map = affine_map<(d0, d1) -> (0, 0)>
#map1 = affine_map<(d0, d1) -> (0, 0, 0)>
module attributes {stable_mosaic.version = 14 : i64} {
  func.func @body(%arg0: i32, %arg1: i32, %arg2: memref<10240x128xf32, #tpu.memory_space<hbm>>, %arg3: memref<32x79x128xi32, #tpu.memory_space<hbm>>, %arg4: memref<32x79x128xi32, #tpu.memory_space<hbm>>, %arg5: memref<10240x128xf32, #tpu.memory_space<hbm>>, %arg6: memref<2x10240x128xf32, #tpu.memory_space<hbm>>, %arg7: memref<79x128xi32, #tpu.memory_space<vmem>>, %arg8: memref<79x128xi32, #tpu.memory_space<vmem>>, %arg9: memref<128x128xf32, #tpu.memory_space<vmem>>, %arg10: memref<10240x128xf32, #tpu.memory_space<vmem_shared>>, %arg11: memref<!tpu.dma_semaphore, #tpu.memory_space<semaphore_mem>>) attributes {dimension_semantics = [#tpu.dimension_semantics<core_parallel>, #tpu.dimension_semantics<subcore_parallel>], iteration_bounds = array<i64: 2, 16>, scalar_prefetch = 0 : i64, scratch_operands = 5 : i64, tpu.core_type = #tpu.core_type<sc_vector_subcore>, window_params = [{transform_indices = #map}, {transform_indices = #map1}, {transform_indices = #map1}, {transform_indices = #map}, {transform_indices = #map1}]} {
    %mul3A = arith.constant 16 : i32
    %mul3A_0 = arith.muli %arg0, %mul3A : i32
    %add3A = arith.addi %mul3A_0, %arg1 : i32
    %mul3A_1 = arith.constant 640 : i32
    %mul3A_2 = arith.muli %arg1, %mul3A_1 : i32
    %mul3A_3 = arith.constant 640 : i32
    %mul3A_4 = arith.muli %arg1, %mul3A_3 : i32
    "tpu.region"() ({
      %run_scoped3A = tpu.sem_alloc : memref<!tpu.dma_semaphore, #tpu.memory_space<semaphore_mem>>
      %dma_start3A = arith.constant 0 : i32
      %dma_start3A_15 = tpu.memref_slice %arg10[%mul3A_4, %dma_start3A] : memref<10240x128xf32, #tpu.memory_space<vmem_shared>> -> memref<640x128xf32, #tpu.memory_space<vmem_shared>>
      %dma_start3A_16 = arith.constant 0 : i32
      %dma_start3A_17 = tpu.memref_slice %arg5[%mul3A_2, %dma_start3A_16] : memref<10240x128xf32, #tpu.memory_space<hbm>> -> memref<640x128xf32, #tpu.memory_space<hbm>>
      tpu.enqueue_dma source(%dma_start3A_17 : memref<640x128xf32, #tpu.memory_space<hbm>>) target(%dma_start3A_15 : memref<640x128xf32, #tpu.memory_space<vmem_shared>>) target_semaphore(%run_scoped3A : memref<!tpu.dma_semaphore, #tpu.memory_space<semaphore_mem>>)
      %dma_wait3A = arith.constant 0 : i32
      %dma_wait3A_18 = tpu.memref_slice %arg10[%mul3A_4, %dma_wait3A] : memref<10240x128xf32, #tpu.memory_space<vmem_shared>> -> memref<640x128xf32, #tpu.memory_space<vmem_shared>>
      %dma_wait3A_19 = arith.constant 0 : i32
      %dma_wait3A_20 = tpu.memref_slice %arg5[%mul3A_2, %dma_wait3A_19] : memref<10240x128xf32, #tpu.memory_space<hbm>> -> memref<640x128xf32, #tpu.memory_space<hbm>>
      tpu.wait_dma2 semaphore(%run_scoped3A : memref<!tpu.dma_semaphore, #tpu.memory_space<semaphore_mem>>) src(%dma_wait3A_20 : memref<640x128xf32, #tpu.memory_space<hbm>>) dst(%dma_wait3A_18 : memref<640x128xf32, #tpu.memory_space<vmem_shared>>)
      tpu.yield
    }) : () -> ()
    "tpu.region"() ({
      %run_scoped3A = tpu.sem_alloc : memref<!tpu.dma_semaphore, #tpu.memory_space<semaphore_mem>>
      %dma_start3A = arith.constant 0 : i32
      %dma_start3A_15 = arith.constant 0 : i32
      %dma_start3A_16 = tpu.memref_slice %arg3[%add3A, %dma_start3A, %dma_start3A_15] : memref<32x79x128xi32, #tpu.memory_space<hbm>> -> memref<1x79x128xi32, #tpu.memory_space<hbm>>
      %dma_start3A_17 = tpu.memref_squeeze %dma_start3A_16 : memref<1x79x128xi32, #tpu.memory_space<hbm>> -> memref<79x128xi32, #tpu.memory_space<hbm>>
      %dma_start3A_18 = arith.constant 0 : i32
      %dma_start3A_19 = arith.constant 0 : i32
      %dma_start3A_20 = tpu.memref_slice %arg3[%add3A, %dma_start3A_18, %dma_start3A_19] : memref<32x79x128xi32, #tpu.memory_space<hbm>> -> memref<1x79x128xi32, #tpu.memory_space<hbm>>
      %dma_start3A_21 = tpu.memref_squeeze %dma_start3A_20 : memref<1x79x128xi32, #tpu.memory_space<hbm>> -> memref<79x128xi32, #tpu.memory_space<hbm>>
      tpu.enqueue_dma source(%dma_start3A_21 : memref<79x128xi32, #tpu.memory_space<hbm>>) target(%arg7 : memref<79x128xi32, #tpu.memory_space<vmem>>) target_semaphore(%run_scoped3A : memref<!tpu.dma_semaphore, #tpu.memory_space<semaphore_mem>>)
      %dma_wait3A = arith.constant 0 : i32
      %dma_wait3A_22 = arith.constant 0 : i32
      %dma_wait3A_23 = tpu.memref_slice %arg3[%add3A, %dma_wait3A, %dma_wait3A_22] : memref<32x79x128xi32, #tpu.memory_space<hbm>> -> memref<1x79x128xi32, #tpu.memory_space<hbm>>
      %dma_wait3A_24 = tpu.memref_squeeze %dma_wait3A_23 : memref<1x79x128xi32, #tpu.memory_space<hbm>> -> memref<79x128xi32, #tpu.memory_space<hbm>>
      %dma_wait3A_25 = arith.constant 0 : i32
      %dma_wait3A_26 = arith.constant 0 : i32
      %dma_wait3A_27 = tpu.memref_slice %arg3[%add3A, %dma_wait3A_25, %dma_wait3A_26] : memref<32x79x128xi32, #tpu.memory_space<hbm>> -> memref<1x79x128xi32, #tpu.memory_space<hbm>>
      %dma_wait3A_28 = tpu.memref_squeeze %dma_wait3A_27 : memref<1x79x128xi32, #tpu.memory_space<hbm>> -> memref<79x128xi32, #tpu.memory_space<hbm>>
      tpu.wait_dma2 semaphore(%run_scoped3A : memref<!tpu.dma_semaphore, #tpu.memory_space<semaphore_mem>>) src(%dma_wait3A_28 : memref<79x128xi32, #tpu.memory_space<hbm>>) dst(%arg7 : memref<79x128xi32, #tpu.memory_space<vmem>>)
      tpu.yield
    }) : () -> ()
    "tpu.region"() ({
      %run_scoped3A = tpu.sem_alloc : memref<!tpu.dma_semaphore, #tpu.memory_space<semaphore_mem>>
      %dma_start3A = arith.constant 0 : i32
      %dma_start3A_15 = arith.constant 0 : i32
      %dma_start3A_16 = tpu.memref_slice %arg4[%add3A, %dma_start3A, %dma_start3A_15] : memref<32x79x128xi32, #tpu.memory_space<hbm>> -> memref<1x79x128xi32, #tpu.memory_space<hbm>>
      %dma_start3A_17 = tpu.memref_squeeze %dma_start3A_16 : memref<1x79x128xi32, #tpu.memory_space<hbm>> -> memref<79x128xi32, #tpu.memory_space<hbm>>
      %dma_start3A_18 = arith.constant 0 : i32
      %dma_start3A_19 = arith.constant 0 : i32
      %dma_start3A_20 = tpu.memref_slice %arg4[%add3A, %dma_start3A_18, %dma_start3A_19] : memref<32x79x128xi32, #tpu.memory_space<hbm>> -> memref<1x79x128xi32, #tpu.memory_space<hbm>>
      %dma_start3A_21 = tpu.memref_squeeze %dma_start3A_20 : memref<1x79x128xi32, #tpu.memory_space<hbm>> -> memref<79x128xi32, #tpu.memory_space<hbm>>
      tpu.enqueue_dma source(%dma_start3A_21 : memref<79x128xi32, #tpu.memory_space<hbm>>) target(%arg8 : memref<79x128xi32, #tpu.memory_space<vmem>>) target_semaphore(%run_scoped3A : memref<!tpu.dma_semaphore, #tpu.memory_space<semaphore_mem>>)
      %dma_wait3A = arith.constant 0 : i32
      %dma_wait3A_22 = arith.constant 0 : i32
      %dma_wait3A_23 = tpu.memref_slice %arg4[%add3A, %dma_wait3A, %dma_wait3A_22] : memref<32x79x128xi32, #tpu.memory_space<hbm>> -> memref<1x79x128xi32, #tpu.memory_space<hbm>>
      %dma_wait3A_24 = tpu.memref_squeeze %dma_wait3A_23 : memref<1x79x128xi32, #tpu.memory_space<hbm>> -> memref<79x128xi32, #tpu.memory_space<hbm>>
      %dma_wait3A_25 = arith.constant 0 : i32
      %dma_wait3A_26 = arith.constant 0 : i32
      %dma_wait3A_27 = tpu.memref_slice %arg4[%add3A, %dma_wait3A_25, %dma_wait3A_26] : memref<32x79x128xi32, #tpu.memory_space<hbm>> -> memref<1x79x128xi32, #tpu.memory_space<hbm>>
      %dma_wait3A_28 = tpu.memref_squeeze %dma_wait3A_27 : memref<1x79x128xi32, #tpu.memory_space<hbm>> -> memref<79x128xi32, #tpu.memory_space<hbm>>
      tpu.wait_dma2 semaphore(%run_scoped3A : memref<!tpu.dma_semaphore, #tpu.memory_space<semaphore_mem>>) src(%dma_wait3A_28 : memref<79x128xi32, #tpu.memory_space<hbm>>) dst(%arg8 : memref<79x128xi32, #tpu.memory_space<vmem>>)
      tpu.yield
    }) : () -> ()
    %barrier3A = arith.constant 0 : index
    tpu.barrier barrier_id(%barrier3A)
    %scan3A = arith.constant 0 : i32
    %scan3A_5 = arith.constant 0 : i32
    %scan3A_6 = arith.constant 79 : i32
    %scan3A_7 = arith.addi %scan3A_5, %scan3A_6 : i32
    %scan3A_8 = arith.constant 1 : i32
    scf.for %scan3A_15 = %scan3A_5 to %scan3A_7 step %scan3A_8  : i32 {
      %dma_start3A = arith.constant 0 : i32
      %dma_start3A_16 = tpu.memref_slice %arg7[%scan3A_15, %dma_start3A] : memref<79x128xi32, #tpu.memory_space<vmem>> -> memref<1x128xi32, #tpu.memory_space<vmem>>
      %dma_start3A_17 = tpu.memref_squeeze %dma_start3A_16 : memref<1x128xi32, #tpu.memory_space<vmem>> -> memref<128xi32, #tpu.memory_space<vmem>>
      %dma_start3A_18 = arith.constant 0 : i32
      %dma_start3A_19 = arith.constant 0 : i32
      %dma_start3A_20 = tpu.memref_slice %arg2[%dma_start3A_18, %dma_start3A_19] : memref<10240x128xf32, #tpu.memory_space<hbm>> -> memref<10240x128xf32, #tpu.memory_space<hbm>>
      tpu.enqueue_indirect_dma source(%dma_start3A_20 : memref<10240x128xf32, #tpu.memory_space<hbm>>) target(%arg9 : memref<128x128xf32, #tpu.memory_space<vmem>>) offsets(%dma_start3A_17 : memref<128xi32, #tpu.memory_space<vmem>>) semaphore(%arg11 : memref<!tpu.dma_semaphore, #tpu.memory_space<semaphore_mem>>)
      %dma_wait3A = arith.constant 0 : i32
      %dma_wait3A_21 = tpu.memref_slice %arg7[%scan3A_15, %dma_wait3A] : memref<79x128xi32, #tpu.memory_space<vmem>> -> memref<1x128xi32, #tpu.memory_space<vmem>>
      %dma_wait3A_22 = tpu.memref_squeeze %dma_wait3A_21 : memref<1x128xi32, #tpu.memory_space<vmem>> -> memref<128xi32, #tpu.memory_space<vmem>>
      %dma_wait3A_23 = arith.constant 0 : i32
      %dma_wait3A_24 = arith.constant 0 : i32
      %dma_wait3A_25 = tpu.memref_slice %arg2[%dma_wait3A_23, %dma_wait3A_24] : memref<10240x128xf32, #tpu.memory_space<hbm>> -> memref<10240x128xf32, #tpu.memory_space<hbm>>
      tpu.wait_indirect_dma semaphore(%arg11 : memref<!tpu.dma_semaphore, #tpu.memory_space<semaphore_mem>>) src(%dma_wait3A_25 : memref<10240x128xf32, #tpu.memory_space<hbm>>) dst(%arg9 : memref<128x128xf32, #tpu.memory_space<vmem>>)
      "tpu.region"() ({
        %run_scoped3A = tpu.sem_alloc : memref<!tpu.dma_semaphore, #tpu.memory_space<semaphore_mem>>
        %dma_start3A_26 = arith.constant 0 : i32
        %dma_start3A_27 = tpu.memref_slice %arg8[%scan3A_15, %dma_start3A_26] : memref<79x128xi32, #tpu.memory_space<vmem>> -> memref<1x128xi32, #tpu.memory_space<vmem>>
        %dma_start3A_28 = tpu.memref_squeeze %dma_start3A_27 : memref<1x128xi32, #tpu.memory_space<vmem>> -> memref<128xi32, #tpu.memory_space<vmem>>
        %dma_start3A_29 = arith.constant 0 : i32
        %dma_start3A_30 = arith.constant 0 : i32
        %dma_start3A_31 = tpu.memref_slice %arg10[%dma_start3A_29, %dma_start3A_30] : memref<10240x128xf32, #tpu.memory_space<vmem_shared>> -> memref<10240x128xf32, #tpu.memory_space<vmem_shared>>
        tpu.enqueue_indirect_dma source(%arg9 : memref<128x128xf32, #tpu.memory_space<vmem>>) target(%dma_start3A_31 : memref<10240x128xf32, #tpu.memory_space<vmem_shared>>) offsets(%dma_start3A_28 : memref<128xi32, #tpu.memory_space<vmem>>) semaphore(%run_scoped3A : memref<!tpu.dma_semaphore, #tpu.memory_space<semaphore_mem>>) {add = true}
        %dma_wait3A_32 = arith.constant 0 : i32
        %dma_wait3A_33 = tpu.memref_slice %arg8[%scan3A_15, %dma_wait3A_32] : memref<79x128xi32, #tpu.memory_space<vmem>> -> memref<1x128xi32, #tpu.memory_space<vmem>>
        %dma_wait3A_34 = tpu.memref_squeeze %dma_wait3A_33 : memref<1x128xi32, #tpu.memory_space<vmem>> -> memref<128xi32, #tpu.memory_space<vmem>>
        %dma_wait3A_35 = arith.constant 0 : i32
        %dma_wait3A_36 = arith.constant 0 : i32
        %dma_wait3A_37 = tpu.memref_slice %arg10[%dma_wait3A_35, %dma_wait3A_36] : memref<10240x128xf32, #tpu.memory_space<vmem_shared>> -> memref<10240x128xf32, #tpu.memory_space<vmem_shared>>
        tpu.wait_indirect_dma semaphore(%run_scoped3A : memref<!tpu.dma_semaphore, #tpu.memory_space<semaphore_mem>>) src(%arg9 : memref<128x128xf32, #tpu.memory_space<vmem>>) dst(%dma_wait3A_37 : memref<10240x128xf32, #tpu.memory_space<vmem_shared>>)
        tpu.yield
      }) : () -> ()
    }
    %scan3A_9 = arith.constant 79 : i32
    %barrier3A_10 = arith.constant 0 : index
    tpu.barrier barrier_id(%barrier3A_10)
    %mul3A_11 = arith.constant 640 : i32
    %mul3A_12 = arith.muli %arg1, %mul3A_11 : i32
    %mul3A_13 = arith.constant 640 : i32
    %mul3A_14 = arith.muli %arg1, %mul3A_13 : i32
    "tpu.region"() ({
      %run_scoped3A = tpu.sem_alloc : memref<!tpu.dma_semaphore, #tpu.memory_space<semaphore_mem>>
      %dma_start3A = arith.constant 0 : i32
      %dma_start3A_15 = tpu.memref_slice %arg6[%arg0, %mul3A_14, %dma_start3A] : memref<2x10240x128xf32, #tpu.memory_space<hbm>> -> memref<1x640x128xf32, #tpu.memory_space<hbm>>
      %dma_start3A_16 = tpu.memref_squeeze %dma_start3A_15 : memref<1x640x128xf32, #tpu.memory_space<hbm>> -> memref<640x128xf32, #tpu.memory_space<hbm>>
      %dma_start3A_17 = arith.constant 0 : i32
      %dma_start3A_18 = tpu.memref_slice %arg10[%mul3A_12, %dma_start3A_17] : memref<10240x128xf32, #tpu.memory_space<vmem_shared>> -> memref<640x128xf32, #tpu.memory_space<vmem_shared>>
      tpu.enqueue_dma source(%dma_start3A_18 : memref<640x128xf32, #tpu.memory_space<vmem_shared>>) target(%dma_start3A_16 : memref<640x128xf32, #tpu.memory_space<hbm>>) target_semaphore(%run_scoped3A : memref<!tpu.dma_semaphore, #tpu.memory_space<semaphore_mem>>)
      %dma_wait3A = arith.constant 0 : i32
      %dma_wait3A_19 = tpu.memref_slice %arg6[%arg0, %mul3A_14, %dma_wait3A] : memref<2x10240x128xf32, #tpu.memory_space<hbm>> -> memref<1x640x128xf32, #tpu.memory_space<hbm>>
      %dma_wait3A_20 = tpu.memref_squeeze %dma_wait3A_19 : memref<1x640x128xf32, #tpu.memory_space<hbm>> -> memref<640x128xf32, #tpu.memory_space<hbm>>
      %dma_wait3A_21 = arith.constant 0 : i32
      %dma_wait3A_22 = tpu.memref_slice %arg10[%mul3A_12, %dma_wait3A_21] : memref<10240x128xf32, #tpu.memory_space<vmem_shared>> -> memref<640x128xf32, #tpu.memory_space<vmem_shared>>
      tpu.wait_dma2 semaphore(%run_scoped3A : memref<!tpu.dma_semaphore, #tpu.memory_space<semaphore_mem>>) src(%dma_wait3A_22 : memref<640x128xf32, #tpu.memory_space<vmem_shared>>) dst(%dma_wait3A_20 : memref<640x128xf32, #tpu.memory_space<hbm>>)
      tpu.yield
    }) : () -> ()
    return
  }
}

#map = affine_map<(d0, d1) -> (0, 0, 0)>
#map1 = affine_map<(d0, d1) -> (0, 0)>
module attributes {stable_mosaic.version = 14 : i64} {
  func.func @body(%arg0: i32, %arg1: i32, %arg2: memref<32x79x128xi32, #tpu.memory_space<hbm>>, %arg3: memref<10240x128xf32, #tpu.memory_space<hbm>>, %arg4: memref<128x128xf32, #tpu.memory_space<hbm>>, %arg5: memref<2x10240x128xf32, #tpu.memory_space<hbm>>, %arg6: memref<79x128xi32, #tpu.memory_space<vmem>>, %arg7: memref<128x128xf32, #tpu.memory_space<vmem>>, %arg8: memref<10240x128xf32, #tpu.memory_space<vmem_shared>>) attributes {dimension_semantics = [#tpu.dimension_semantics<core_parallel>, #tpu.dimension_semantics<subcore_parallel>], iteration_bounds = array<i64: 2, 16>, scalar_prefetch = 0 : i64, scratch_operands = 3 : i64, tpu.core_type = #tpu.core_type<sc_vector_subcore>, window_params = [{transform_indices = #map}, {transform_indices = #map1}, {transform_indices = #map1}, {transform_indices = #map}]} {
    %mul3A = arith.constant 16 : i32
    %mul3A_0 = arith.muli %arg0, %mul3A : i32
    %add3A = arith.addi %mul3A_0, %arg1 : i32
    %mul3A_1 = arith.constant 640 : i32
    %mul3A_2 = arith.muli %arg1, %mul3A_1 : i32
    %mul3A_3 = arith.constant 640 : i32
    %mul3A_4 = arith.muli %arg1, %mul3A_3 : i32
    "tpu.region"() ({
      %run_scoped3A = tpu.sem_alloc : memref<!tpu.dma_semaphore, #tpu.memory_space<semaphore_mem>>
      %dma_start3A = arith.constant 0 : i32
      %dma_start3A_15 = tpu.memref_slice %arg8[%mul3A_4, %dma_start3A] : memref<10240x128xf32, #tpu.memory_space<vmem_shared>> -> memref<640x128xf32, #tpu.memory_space<vmem_shared>>
      %dma_start3A_16 = arith.constant 0 : i32
      %dma_start3A_17 = tpu.memref_slice %arg3[%mul3A_2, %dma_start3A_16] : memref<10240x128xf32, #tpu.memory_space<hbm>> -> memref<640x128xf32, #tpu.memory_space<hbm>>
      tpu.enqueue_dma source(%dma_start3A_17 : memref<640x128xf32, #tpu.memory_space<hbm>>) target(%dma_start3A_15 : memref<640x128xf32, #tpu.memory_space<vmem_shared>>) target_semaphore(%run_scoped3A : memref<!tpu.dma_semaphore, #tpu.memory_space<semaphore_mem>>)
      %dma_wait3A = arith.constant 0 : i32
      %dma_wait3A_18 = tpu.memref_slice %arg8[%mul3A_4, %dma_wait3A] : memref<10240x128xf32, #tpu.memory_space<vmem_shared>> -> memref<640x128xf32, #tpu.memory_space<vmem_shared>>
      %dma_wait3A_19 = arith.constant 0 : i32
      %dma_wait3A_20 = tpu.memref_slice %arg3[%mul3A_2, %dma_wait3A_19] : memref<10240x128xf32, #tpu.memory_space<hbm>> -> memref<640x128xf32, #tpu.memory_space<hbm>>
      tpu.wait_dma2 semaphore(%run_scoped3A : memref<!tpu.dma_semaphore, #tpu.memory_space<semaphore_mem>>) src(%dma_wait3A_20 : memref<640x128xf32, #tpu.memory_space<hbm>>) dst(%dma_wait3A_18 : memref<640x128xf32, #tpu.memory_space<vmem_shared>>)
      tpu.yield
    }) : () -> ()
    "tpu.region"() ({
      %run_scoped3A = tpu.sem_alloc : memref<!tpu.dma_semaphore, #tpu.memory_space<semaphore_mem>>
      %dma_start3A = arith.constant 0 : i32
      %dma_start3A_15 = arith.constant 0 : i32
      %dma_start3A_16 = tpu.memref_slice %arg2[%add3A, %dma_start3A, %dma_start3A_15] : memref<32x79x128xi32, #tpu.memory_space<hbm>> -> memref<1x79x128xi32, #tpu.memory_space<hbm>>
      %dma_start3A_17 = tpu.memref_squeeze %dma_start3A_16 : memref<1x79x128xi32, #tpu.memory_space<hbm>> -> memref<79x128xi32, #tpu.memory_space<hbm>>
      %dma_start3A_18 = arith.constant 0 : i32
      %dma_start3A_19 = arith.constant 0 : i32
      %dma_start3A_20 = tpu.memref_slice %arg2[%add3A, %dma_start3A_18, %dma_start3A_19] : memref<32x79x128xi32, #tpu.memory_space<hbm>> -> memref<1x79x128xi32, #tpu.memory_space<hbm>>
      %dma_start3A_21 = tpu.memref_squeeze %dma_start3A_20 : memref<1x79x128xi32, #tpu.memory_space<hbm>> -> memref<79x128xi32, #tpu.memory_space<hbm>>
      tpu.enqueue_dma source(%dma_start3A_21 : memref<79x128xi32, #tpu.memory_space<hbm>>) target(%arg6 : memref<79x128xi32, #tpu.memory_space<vmem>>) target_semaphore(%run_scoped3A : memref<!tpu.dma_semaphore, #tpu.memory_space<semaphore_mem>>)
      %dma_wait3A = arith.constant 0 : i32
      %dma_wait3A_22 = arith.constant 0 : i32
      %dma_wait3A_23 = tpu.memref_slice %arg2[%add3A, %dma_wait3A, %dma_wait3A_22] : memref<32x79x128xi32, #tpu.memory_space<hbm>> -> memref<1x79x128xi32, #tpu.memory_space<hbm>>
      %dma_wait3A_24 = tpu.memref_squeeze %dma_wait3A_23 : memref<1x79x128xi32, #tpu.memory_space<hbm>> -> memref<79x128xi32, #tpu.memory_space<hbm>>
      %dma_wait3A_25 = arith.constant 0 : i32
      %dma_wait3A_26 = arith.constant 0 : i32
      %dma_wait3A_27 = tpu.memref_slice %arg2[%add3A, %dma_wait3A_25, %dma_wait3A_26] : memref<32x79x128xi32, #tpu.memory_space<hbm>> -> memref<1x79x128xi32, #tpu.memory_space<hbm>>
      %dma_wait3A_28 = tpu.memref_squeeze %dma_wait3A_27 : memref<1x79x128xi32, #tpu.memory_space<hbm>> -> memref<79x128xi32, #tpu.memory_space<hbm>>
      tpu.wait_dma2 semaphore(%run_scoped3A : memref<!tpu.dma_semaphore, #tpu.memory_space<semaphore_mem>>) src(%dma_wait3A_28 : memref<79x128xi32, #tpu.memory_space<hbm>>) dst(%arg6 : memref<79x128xi32, #tpu.memory_space<vmem>>)
      tpu.yield
    }) : () -> ()
    "tpu.region"() ({
      %run_scoped3A = tpu.sem_alloc : memref<!tpu.dma_semaphore, #tpu.memory_space<semaphore_mem>>
      tpu.enqueue_dma source(%arg4 : memref<128x128xf32, #tpu.memory_space<hbm>>) target(%arg7 : memref<128x128xf32, #tpu.memory_space<vmem>>) target_semaphore(%run_scoped3A : memref<!tpu.dma_semaphore, #tpu.memory_space<semaphore_mem>>)
      tpu.wait_dma2 semaphore(%run_scoped3A : memref<!tpu.dma_semaphore, #tpu.memory_space<semaphore_mem>>) src(%arg4 : memref<128x128xf32, #tpu.memory_space<hbm>>) dst(%arg7 : memref<128x128xf32, #tpu.memory_space<vmem>>)
      tpu.yield
    }) : () -> ()
    %barrier3A = arith.constant 0 : index
    tpu.barrier barrier_id(%barrier3A)
    %scan3A = arith.constant 0 : i32
    %scan3A_5 = arith.constant 0 : i32
    %scan3A_6 = arith.constant 79 : i32
    %scan3A_7 = arith.addi %scan3A_5, %scan3A_6 : i32
    %scan3A_8 = arith.constant 1 : i32
    scf.for %scan3A_15 = %scan3A_5 to %scan3A_7 step %scan3A_8  : i32 {
      "tpu.region"() ({
        %run_scoped3A = tpu.sem_alloc : memref<!tpu.dma_semaphore, #tpu.memory_space<semaphore_mem>>
        %dma_start3A = arith.constant 0 : i32
        %dma_start3A_16 = tpu.memref_slice %arg6[%scan3A_15, %dma_start3A] : memref<79x128xi32, #tpu.memory_space<vmem>> -> memref<1x128xi32, #tpu.memory_space<vmem>>
        %dma_start3A_17 = tpu.memref_squeeze %dma_start3A_16 : memref<1x128xi32, #tpu.memory_space<vmem>> -> memref<128xi32, #tpu.memory_space<vmem>>
        %dma_start3A_18 = arith.constant 0 : i32
        %dma_start3A_19 = arith.constant 0 : i32
        %dma_start3A_20 = tpu.memref_slice %arg8[%dma_start3A_18, %dma_start3A_19] : memref<10240x128xf32, #tpu.memory_space<vmem_shared>> -> memref<10240x128xf32, #tpu.memory_space<vmem_shared>>
        tpu.enqueue_indirect_dma source(%arg7 : memref<128x128xf32, #tpu.memory_space<vmem>>) target(%dma_start3A_20 : memref<10240x128xf32, #tpu.memory_space<vmem_shared>>) offsets(%dma_start3A_17 : memref<128xi32, #tpu.memory_space<vmem>>) semaphore(%run_scoped3A : memref<!tpu.dma_semaphore, #tpu.memory_space<semaphore_mem>>) {add = true}
        %dma_wait3A = arith.constant 0 : i32
        %dma_wait3A_21 = tpu.memref_slice %arg6[%scan3A_15, %dma_wait3A] : memref<79x128xi32, #tpu.memory_space<vmem>> -> memref<1x128xi32, #tpu.memory_space<vmem>>
        %dma_wait3A_22 = tpu.memref_squeeze %dma_wait3A_21 : memref<1x128xi32, #tpu.memory_space<vmem>> -> memref<128xi32, #tpu.memory_space<vmem>>
        %dma_wait3A_23 = arith.constant 0 : i32
        %dma_wait3A_24 = arith.constant 0 : i32
        %dma_wait3A_25 = tpu.memref_slice %arg8[%dma_wait3A_23, %dma_wait3A_24] : memref<10240x128xf32, #tpu.memory_space<vmem_shared>> -> memref<10240x128xf32, #tpu.memory_space<vmem_shared>>
        tpu.wait_indirect_dma semaphore(%run_scoped3A : memref<!tpu.dma_semaphore, #tpu.memory_space<semaphore_mem>>) src(%arg7 : memref<128x128xf32, #tpu.memory_space<vmem>>) dst(%dma_wait3A_25 : memref<10240x128xf32, #tpu.memory_space<vmem_shared>>)
        tpu.yield
      }) : () -> ()
    }
    %scan3A_9 = arith.constant 79 : i32
    %barrier3A_10 = arith.constant 0 : index
    tpu.barrier barrier_id(%barrier3A_10)
    %mul3A_11 = arith.constant 640 : i32
    %mul3A_12 = arith.muli %arg1, %mul3A_11 : i32
    %mul3A_13 = arith.constant 640 : i32
    %mul3A_14 = arith.muli %arg1, %mul3A_13 : i32
    "tpu.region"() ({
      %run_scoped3A = tpu.sem_alloc : memref<!tpu.dma_semaphore, #tpu.memory_space<semaphore_mem>>
      %dma_start3A = arith.constant 0 : i32
      %dma_start3A_15 = tpu.memref_slice %arg5[%arg0, %mul3A_14, %dma_start3A] : memref<2x10240x128xf32, #tpu.memory_space<hbm>> -> memref<1x640x128xf32, #tpu.memory_space<hbm>>
      %dma_start3A_16 = tpu.memref_squeeze %dma_start3A_15 : memref<1x640x128xf32, #tpu.memory_space<hbm>> -> memref<640x128xf32, #tpu.memory_space<hbm>>
      %dma_start3A_17 = arith.constant 0 : i32
      %dma_start3A_18 = tpu.memref_slice %arg8[%mul3A_12, %dma_start3A_17] : memref<10240x128xf32, #tpu.memory_space<vmem_shared>> -> memref<640x128xf32, #tpu.memory_space<vmem_shared>>
      tpu.enqueue_dma source(%dma_start3A_18 : memref<640x128xf32, #tpu.memory_space<vmem_shared>>) target(%dma_start3A_16 : memref<640x128xf32, #tpu.memory_space<hbm>>) target_semaphore(%run_scoped3A : memref<!tpu.dma_semaphore, #tpu.memory_space<semaphore_mem>>)
      %dma_wait3A = arith.constant 0 : i32
      %dma_wait3A_19 = tpu.memref_slice %arg5[%arg0, %mul3A_14, %dma_wait3A] : memref<2x10240x128xf32, #tpu.memory_space<hbm>> -> memref<1x640x128xf32, #tpu.memory_space<hbm>>
      %dma_wait3A_20 = tpu.memref_squeeze %dma_wait3A_19 : memref<1x640x128xf32, #tpu.memory_space<hbm>> -> memref<640x128xf32, #tpu.memory_space<hbm>>
      %dma_wait3A_21 = arith.constant 0 : i32
      %dma_wait3A_22 = tpu.memref_slice %arg8[%mul3A_12, %dma_wait3A_21] : memref<10240x128xf32, #tpu.memory_space<vmem_shared>> -> memref<640x128xf32, #tpu.memory_space<vmem_shared>>
      tpu.wait_dma2 semaphore(%run_scoped3A : memref<!tpu.dma_semaphore, #tpu.memory_space<semaphore_mem>>) src(%dma_wait3A_22 : memref<640x128xf32, #tpu.memory_space<vmem_shared>>) dst(%dma_wait3A_20 : memref<640x128xf32, #tpu.memory_space<hbm>>)
      tpu.yield
    }) : () -> ()
    return
  }
}

#map = affine_map<(d0, d1) -> (0, 0)>
#map1 = affine_map<(d0, d1) -> (0, 0, 0)>
module attributes {stable_mosaic.version = 14 : i64} {
  func.func @body(%arg0: i32, %arg1: i32, %arg2: memref<10240x128xf32, #tpu.memory_space<hbm>>, %arg3: memref<32x79x128xi32, #tpu.memory_space<hbm>>, %arg4: memref<32x79x128xi32, #tpu.memory_space<hbm>>, %arg5: memref<10240x128xf32, #tpu.memory_space<hbm>>, %arg6: memref<2x10240x128xf32, #tpu.memory_space<hbm>>, %arg7: memref<79x128xi32, #tpu.memory_space<vmem>>, %arg8: memref<79x128xi32, #tpu.memory_space<vmem>>, %arg9: memref<128x128xf32, #tpu.memory_space<vmem>>, %arg10: memref<10240x128xf32, #tpu.memory_space<vmem_shared>>, %arg11: memref<!tpu.dma_semaphore, #tpu.memory_space<semaphore_mem>>) attributes {dimension_semantics = [#tpu.dimension_semantics<core_parallel>, #tpu.dimension_semantics<subcore_parallel>], iteration_bounds = array<i64: 2, 16>, scalar_prefetch = 0 : i64, scratch_operands = 5 : i64, tpu.core_type = #tpu.core_type<sc_vector_subcore>, window_params = [{transform_indices = #map}, {transform_indices = #map1}, {transform_indices = #map1}, {transform_indices = #map}, {transform_indices = #map1}]} {
    %mul3A = arith.constant 16 : i32
    %mul3A_0 = arith.muli %arg0, %mul3A : i32
    %add3A = arith.addi %mul3A_0, %arg1 : i32
    %mul3A_1 = arith.constant 640 : i32
    %mul3A_2 = arith.muli %arg1, %mul3A_1 : i32
    %mul3A_3 = arith.constant 640 : i32
    %mul3A_4 = arith.muli %arg1, %mul3A_3 : i32
    "tpu.region"() ({
      %run_scoped3A = tpu.sem_alloc : memref<!tpu.dma_semaphore, #tpu.memory_space<semaphore_mem>>
      %dma_start3A = arith.constant 0 : i32
      %dma_start3A_15 = tpu.memref_slice %arg10[%mul3A_4, %dma_start3A] : memref<10240x128xf32, #tpu.memory_space<vmem_shared>> -> memref<640x128xf32, #tpu.memory_space<vmem_shared>>
      %dma_start3A_16 = arith.constant 0 : i32
      %dma_start3A_17 = tpu.memref_slice %arg5[%mul3A_2, %dma_start3A_16] : memref<10240x128xf32, #tpu.memory_space<hbm>> -> memref<640x128xf32, #tpu.memory_space<hbm>>
      tpu.enqueue_dma source(%dma_start3A_17 : memref<640x128xf32, #tpu.memory_space<hbm>>) target(%dma_start3A_15 : memref<640x128xf32, #tpu.memory_space<vmem_shared>>) target_semaphore(%run_scoped3A : memref<!tpu.dma_semaphore, #tpu.memory_space<semaphore_mem>>)
      %dma_wait3A = arith.constant 0 : i32
      %dma_wait3A_18 = tpu.memref_slice %arg10[%mul3A_4, %dma_wait3A] : memref<10240x128xf32, #tpu.memory_space<vmem_shared>> -> memref<640x128xf32, #tpu.memory_space<vmem_shared>>
      %dma_wait3A_19 = arith.constant 0 : i32
      %dma_wait3A_20 = tpu.memref_slice %arg5[%mul3A_2, %dma_wait3A_19] : memref<10240x128xf32, #tpu.memory_space<hbm>> -> memref<640x128xf32, #tpu.memory_space<hbm>>
      tpu.wait_dma2 semaphore(%run_scoped3A : memref<!tpu.dma_semaphore, #tpu.memory_space<semaphore_mem>>) src(%dma_wait3A_20 : memref<640x128xf32, #tpu.memory_space<hbm>>) dst(%dma_wait3A_18 : memref<640x128xf32, #tpu.memory_space<vmem_shared>>)
      tpu.yield
    }) : () -> ()
    "tpu.region"() ({
      %run_scoped3A = tpu.sem_alloc : memref<!tpu.dma_semaphore, #tpu.memory_space<semaphore_mem>>
      %dma_start3A = arith.constant 0 : i32
      %dma_start3A_15 = arith.constant 0 : i32
      %dma_start3A_16 = tpu.memref_slice %arg3[%add3A, %dma_start3A, %dma_start3A_15] : memref<32x79x128xi32, #tpu.memory_space<hbm>> -> memref<1x79x128xi32, #tpu.memory_space<hbm>>
      %dma_start3A_17 = tpu.memref_squeeze %dma_start3A_16 : memref<1x79x128xi32, #tpu.memory_space<hbm>> -> memref<79x128xi32, #tpu.memory_space<hbm>>
      %dma_start3A_18 = arith.constant 0 : i32
      %dma_start3A_19 = arith.constant 0 : i32
      %dma_start3A_20 = tpu.memref_slice %arg3[%add3A, %dma_start3A_18, %dma_start3A_19] : memref<32x79x128xi32, #tpu.memory_space<hbm>> -> memref<1x79x128xi32, #tpu.memory_space<hbm>>
      %dma_start3A_21 = tpu.memref_squeeze %dma_start3A_20 : memref<1x79x128xi32, #tpu.memory_space<hbm>> -> memref<79x128xi32, #tpu.memory_space<hbm>>
      tpu.enqueue_dma source(%dma_start3A_21 : memref<79x128xi32, #tpu.memory_space<hbm>>) target(%arg7 : memref<79x128xi32, #tpu.memory_space<vmem>>) target_semaphore(%run_scoped3A : memref<!tpu.dma_semaphore, #tpu.memory_space<semaphore_mem>>)
      %dma_wait3A = arith.constant 0 : i32
      %dma_wait3A_22 = arith.constant 0 : i32
      %dma_wait3A_23 = tpu.memref_slice %arg3[%add3A, %dma_wait3A, %dma_wait3A_22] : memref<32x79x128xi32, #tpu.memory_space<hbm>> -> memref<1x79x128xi32, #tpu.memory_space<hbm>>
      %dma_wait3A_24 = tpu.memref_squeeze %dma_wait3A_23 : memref<1x79x128xi32, #tpu.memory_space<hbm>> -> memref<79x128xi32, #tpu.memory_space<hbm>>
      %dma_wait3A_25 = arith.constant 0 : i32
      %dma_wait3A_26 = arith.constant 0 : i32
      %dma_wait3A_27 = tpu.memref_slice %arg3[%add3A, %dma_wait3A_25, %dma_wait3A_26] : memref<32x79x128xi32, #tpu.memory_space<hbm>> -> memref<1x79x128xi32, #tpu.memory_space<hbm>>
      %dma_wait3A_28 = tpu.memref_squeeze %dma_wait3A_27 : memref<1x79x128xi32, #tpu.memory_space<hbm>> -> memref<79x128xi32, #tpu.memory_space<hbm>>
      tpu.wait_dma2 semaphore(%run_scoped3A : memref<!tpu.dma_semaphore, #tpu.memory_space<semaphore_mem>>) src(%dma_wait3A_28 : memref<79x128xi32, #tpu.memory_space<hbm>>) dst(%arg7 : memref<79x128xi32, #tpu.memory_space<vmem>>)
      tpu.yield
    }) : () -> ()
    "tpu.region"() ({
      %run_scoped3A = tpu.sem_alloc : memref<!tpu.dma_semaphore, #tpu.memory_space<semaphore_mem>>
      %dma_start3A = arith.constant 0 : i32
      %dma_start3A_15 = arith.constant 0 : i32
      %dma_start3A_16 = tpu.memref_slice %arg4[%add3A, %dma_start3A, %dma_start3A_15] : memref<32x79x128xi32, #tpu.memory_space<hbm>> -> memref<1x79x128xi32, #tpu.memory_space<hbm>>
      %dma_start3A_17 = tpu.memref_squeeze %dma_start3A_16 : memref<1x79x128xi32, #tpu.memory_space<hbm>> -> memref<79x128xi32, #tpu.memory_space<hbm>>
      %dma_start3A_18 = arith.constant 0 : i32
      %dma_start3A_19 = arith.constant 0 : i32
      %dma_start3A_20 = tpu.memref_slice %arg4[%add3A, %dma_start3A_18, %dma_start3A_19] : memref<32x79x128xi32, #tpu.memory_space<hbm>> -> memref<1x79x128xi32, #tpu.memory_space<hbm>>
      %dma_start3A_21 = tpu.memref_squeeze %dma_start3A_20 : memref<1x79x128xi32, #tpu.memory_space<hbm>> -> memref<79x128xi32, #tpu.memory_space<hbm>>
      tpu.enqueue_dma source(%dma_start3A_21 : memref<79x128xi32, #tpu.memory_space<hbm>>) target(%arg8 : memref<79x128xi32, #tpu.memory_space<vmem>>) target_semaphore(%run_scoped3A : memref<!tpu.dma_semaphore, #tpu.memory_space<semaphore_mem>>)
      %dma_wait3A = arith.constant 0 : i32
      %dma_wait3A_22 = arith.constant 0 : i32
      %dma_wait3A_23 = tpu.memref_slice %arg4[%add3A, %dma_wait3A, %dma_wait3A_22] : memref<32x79x128xi32, #tpu.memory_space<hbm>> -> memref<1x79x128xi32, #tpu.memory_space<hbm>>
      %dma_wait3A_24 = tpu.memref_squeeze %dma_wait3A_23 : memref<1x79x128xi32, #tpu.memory_space<hbm>> -> memref<79x128xi32, #tpu.memory_space<hbm>>
      %dma_wait3A_25 = arith.constant 0 : i32
      %dma_wait3A_26 = arith.constant 0 : i32
      %dma_wait3A_27 = tpu.memref_slice %arg4[%add3A, %dma_wait3A_25, %dma_wait3A_26] : memref<32x79x128xi32, #tpu.memory_space<hbm>> -> memref<1x79x128xi32, #tpu.memory_space<hbm>>
      %dma_wait3A_28 = tpu.memref_squeeze %dma_wait3A_27 : memref<1x79x128xi32, #tpu.memory_space<hbm>> -> memref<79x128xi32, #tpu.memory_space<hbm>>
      tpu.wait_dma2 semaphore(%run_scoped3A : memref<!tpu.dma_semaphore, #tpu.memory_space<semaphore_mem>>) src(%dma_wait3A_28 : memref<79x128xi32, #tpu.memory_space<hbm>>) dst(%arg8 : memref<79x128xi32, #tpu.memory_space<vmem>>)
      tpu.yield
    }) : () -> ()
    %barrier3A = arith.constant 0 : index
    tpu.barrier barrier_id(%barrier3A)
    %scan3A = arith.constant 0 : i32
    %scan3A_5 = arith.constant 0 : i32
    %scan3A_6 = arith.constant 79 : i32
    %scan3A_7 = arith.addi %scan3A_5, %scan3A_6 : i32
    %scan3A_8 = arith.constant 1 : i32
    scf.for %scan3A_15 = %scan3A_5 to %scan3A_7 step %scan3A_8  : i32 {
      %dma_start3A = arith.constant 0 : i32
      %dma_start3A_16 = tpu.memref_slice %arg7[%scan3A_15, %dma_start3A] : memref<79x128xi32, #tpu.memory_space<vmem>> -> memref<1x128xi32, #tpu.memory_space<vmem>>
      %dma_start3A_17 = tpu.memref_squeeze %dma_start3A_16 : memref<1x128xi32, #tpu.memory_space<vmem>> -> memref<128xi32, #tpu.memory_space<vmem>>
      %dma_start3A_18 = arith.constant 0 : i32
      %dma_start3A_19 = arith.constant 0 : i32
      %dma_start3A_20 = tpu.memref_slice %arg2[%dma_start3A_18, %dma_start3A_19] : memref<10240x128xf32, #tpu.memory_space<hbm>> -> memref<10240x128xf32, #tpu.memory_space<hbm>>
      tpu.enqueue_indirect_dma source(%dma_start3A_20 : memref<10240x128xf32, #tpu.memory_space<hbm>>) target(%arg9 : memref<128x128xf32, #tpu.memory_space<vmem>>) offsets(%dma_start3A_17 : memref<128xi32, #tpu.memory_space<vmem>>) semaphore(%arg11 : memref<!tpu.dma_semaphore, #tpu.memory_space<semaphore_mem>>)
      %dma_wait3A = arith.constant 0 : i32
      %dma_wait3A_21 = tpu.memref_slice %arg7[%scan3A_15, %dma_wait3A] : memref<79x128xi32, #tpu.memory_space<vmem>> -> memref<1x128xi32, #tpu.memory_space<vmem>>
      %dma_wait3A_22 = tpu.memref_squeeze %dma_wait3A_21 : memref<1x128xi32, #tpu.memory_space<vmem>> -> memref<128xi32, #tpu.memory_space<vmem>>
      %dma_wait3A_23 = arith.constant 0 : i32
      %dma_wait3A_24 = arith.constant 0 : i32
      %dma_wait3A_25 = tpu.memref_slice %arg2[%dma_wait3A_23, %dma_wait3A_24] : memref<10240x128xf32, #tpu.memory_space<hbm>> -> memref<10240x128xf32, #tpu.memory_space<hbm>>
      tpu.wait_indirect_dma semaphore(%arg11 : memref<!tpu.dma_semaphore, #tpu.memory_space<semaphore_mem>>) src(%dma_wait3A_25 : memref<10240x128xf32, #tpu.memory_space<hbm>>) dst(%arg9 : memref<128x128xf32, #tpu.memory_space<vmem>>)
      "tpu.region"() ({
        %run_scoped3A = tpu.sem_alloc : memref<!tpu.dma_semaphore, #tpu.memory_space<semaphore_mem>>
        %dma_start3A_26 = arith.constant 0 : i32
        %dma_start3A_27 = tpu.memref_slice %arg8[%scan3A_15, %dma_start3A_26] : memref<79x128xi32, #tpu.memory_space<vmem>> -> memref<1x128xi32, #tpu.memory_space<vmem>>
        %dma_start3A_28 = tpu.memref_squeeze %dma_start3A_27 : memref<1x128xi32, #tpu.memory_space<vmem>> -> memref<128xi32, #tpu.memory_space<vmem>>
        %dma_start3A_29 = arith.constant 0 : i32
        %dma_start3A_30 = arith.constant 0 : i32
        %dma_start3A_31 = tpu.memref_slice %arg10[%dma_start3A_29, %dma_start3A_30] : memref<10240x128xf32, #tpu.memory_space<vmem_shared>> -> memref<10240x128xf32, #tpu.memory_space<vmem_shared>>
        tpu.enqueue_indirect_dma source(%arg9 : memref<128x128xf32, #tpu.memory_space<vmem>>) target(%dma_start3A_31 : memref<10240x128xf32, #tpu.memory_space<vmem_shared>>) offsets(%dma_start3A_28 : memref<128xi32, #tpu.memory_space<vmem>>) semaphore(%run_scoped3A : memref<!tpu.dma_semaphore, #tpu.memory_space<semaphore_mem>>) {add = true}
        %dma_wait3A_32 = arith.constant 0 : i32
        %dma_wait3A_33 = tpu.memref_slice %arg8[%scan3A_15, %dma_wait3A_32] : memref<79x128xi32, #tpu.memory_space<vmem>> -> memref<1x128xi32, #tpu.memory_space<vmem>>
        %dma_wait3A_34 = tpu.memref_squeeze %dma_wait3A_33 : memref<1x128xi32, #tpu.memory_space<vmem>> -> memref<128xi32, #tpu.memory_space<vmem>>
        %dma_wait3A_35 = arith.constant 0 : i32
        %dma_wait3A_36 = arith.constant 0 : i32
        %dma_wait3A_37 = tpu.memref_slice %arg10[%dma_wait3A_35, %dma_wait3A_36] : memref<10240x128xf32, #tpu.memory_space<vmem_shared>> -> memref<10240x128xf32, #tpu.memory_space<vmem_shared>>
        tpu.wait_indirect_dma semaphore(%run_scoped3A : memref<!tpu.dma_semaphore, #tpu.memory_space<semaphore_mem>>) src(%arg9 : memref<128x128xf32, #tpu.memory_space<vmem>>) dst(%dma_wait3A_37 : memref<10240x128xf32, #tpu.memory_space<vmem_shared>>)
        tpu.yield
      }) : () -> ()
    }
    %scan3A_9 = arith.constant 79 : i32
    %barrier3A_10 = arith.constant 0 : index
    tpu.barrier barrier_id(%barrier3A_10)
    %mul3A_11 = arith.constant 640 : i32
    %mul3A_12 = arith.muli %arg1, %mul3A_11 : i32
    %mul3A_13 = arith.constant 640 : i32
    %mul3A_14 = arith.muli %arg1, %mul3A_13 : i32
    "tpu.region"() ({
      %run_scoped3A = tpu.sem_alloc : memref<!tpu.dma_semaphore, #tpu.memory_space<semaphore_mem>>
      %dma_start3A = arith.constant 0 : i32
      %dma_start3A_15 = tpu.memref_slice %arg6[%arg0, %mul3A_14, %dma_start3A] : memref<2x10240x128xf32, #tpu.memory_space<hbm>> -> memref<1x640x128xf32, #tpu.memory_space<hbm>>
      %dma_start3A_16 = tpu.memref_squeeze %dma_start3A_15 : memref<1x640x128xf32, #tpu.memory_space<hbm>> -> memref<640x128xf32, #tpu.memory_space<hbm>>
      %dma_start3A_17 = arith.constant 0 : i32
      %dma_start3A_18 = tpu.memref_slice %arg10[%mul3A_12, %dma_start3A_17] : memref<10240x128xf32, #tpu.memory_space<vmem_shared>> -> memref<640x128xf32, #tpu.memory_space<vmem_shared>>
      tpu.enqueue_dma source(%dma_start3A_18 : memref<640x128xf32, #tpu.memory_space<vmem_shared>>) target(%dma_start3A_16 : memref<640x128xf32, #tpu.memory_space<hbm>>) target_semaphore(%run_scoped3A : memref<!tpu.dma_semaphore, #tpu.memory_space<semaphore_mem>>)
      %dma_wait3A = arith.constant 0 : i32
      %dma_wait3A_19 = tpu.memref_slice %arg6[%arg0, %mul3A_14, %dma_wait3A] : memref<2x10240x128xf32, #tpu.memory_space<hbm>> -> memref<1x640x128xf32, #tpu.memory_space<hbm>>
      %dma_wait3A_20 = tpu.memref_squeeze %dma_wait3A_19 : memref<1x640x128xf32, #tpu.memory_space<hbm>> -> memref<640x128xf32, #tpu.memory_space<hbm>>
      %dma_wait3A_21 = arith.constant 0 : i32
      %dma_wait3A_22 = tpu.memref_slice %arg10[%mul3A_12, %dma_wait3A_21] : memref<10240x128xf32, #tpu.memory_space<vmem_shared>> -> memref<640x128xf32, #tpu.memory_space<vmem_shared>>
      tpu.wait_dma2 semaphore(%run_scoped3A : memref<!tpu.dma_semaphore, #tpu.memory_space<semaphore_mem>>) src(%dma_wait3A_22 : memref<640x128xf32, #tpu.memory_space<vmem_shared>>) dst(%dma_wait3A_20 : memref<640x128xf32, #tpu.memory_space<hbm>>)
      tpu.yield
    }) : () -> ()
    return
  }
}

#map = affine_map<(d0, d1) -> (0, 0)>
#map1 = affine_map<(d0, d1) -> (0, 0, 0)>
module attributes {stable_mosaic.version = 14 : i64} {
  func.func @body(%arg0: i32, %arg1: i32, %arg2: memref<10240x128xf32, #tpu.memory_space<hbm>>, %arg3: memref<32x79x128xi32, #tpu.memory_space<hbm>>, %arg4: memref<32x79x128xi32, #tpu.memory_space<hbm>>, %arg5: memref<10240x128xf32, #tpu.memory_space<hbm>>, %arg6: memref<2x10240x128xf32, #tpu.memory_space<hbm>>, %arg7: memref<79x128xi32, #tpu.memory_space<vmem>>, %arg8: memref<79x128xi32, #tpu.memory_space<vmem>>, %arg9: memref<128x128xf32, #tpu.memory_space<vmem>>, %arg10: memref<10240x128xf32, #tpu.memory_space<vmem_shared>>, %arg11: memref<!tpu.dma_semaphore, #tpu.memory_space<semaphore_mem>>) attributes {dimension_semantics = [#tpu.dimension_semantics<core_parallel>, #tpu.dimension_semantics<subcore_parallel>], iteration_bounds = array<i64: 2, 16>, scalar_prefetch = 0 : i64, scratch_operands = 5 : i64, tpu.core_type = #tpu.core_type<sc_vector_subcore>, window_params = [{transform_indices = #map}, {transform_indices = #map1}, {transform_indices = #map1}, {transform_indices = #map}, {transform_indices = #map1}]} {
    %mul3A = arith.constant 16 : i32
    %mul3A_0 = arith.muli %arg0, %mul3A : i32
    %add3A = arith.addi %mul3A_0, %arg1 : i32
    %mul3A_1 = arith.constant 640 : i32
    %mul3A_2 = arith.muli %arg1, %mul3A_1 : i32
    %mul3A_3 = arith.constant 640 : i32
    %mul3A_4 = arith.muli %arg1, %mul3A_3 : i32
    "tpu.region"() ({
      %run_scoped3A = tpu.sem_alloc : memref<!tpu.dma_semaphore, #tpu.memory_space<semaphore_mem>>
      %dma_start3A = arith.constant 0 : i32
      %dma_start3A_15 = tpu.memref_slice %arg10[%mul3A_4, %dma_start3A] : memref<10240x128xf32, #tpu.memory_space<vmem_shared>> -> memref<640x128xf32, #tpu.memory_space<vmem_shared>>
      %dma_start3A_16 = arith.constant 0 : i32
      %dma_start3A_17 = tpu.memref_slice %arg5[%mul3A_2, %dma_start3A_16] : memref<10240x128xf32, #tpu.memory_space<hbm>> -> memref<640x128xf32, #tpu.memory_space<hbm>>
      tpu.enqueue_dma source(%dma_start3A_17 : memref<640x128xf32, #tpu.memory_space<hbm>>) target(%dma_start3A_15 : memref<640x128xf32, #tpu.memory_space<vmem_shared>>) target_semaphore(%run_scoped3A : memref<!tpu.dma_semaphore, #tpu.memory_space<semaphore_mem>>)
      %dma_wait3A = arith.constant 0 : i32
      %dma_wait3A_18 = tpu.memref_slice %arg10[%mul3A_4, %dma_wait3A] : memref<10240x128xf32, #tpu.memory_space<vmem_shared>> -> memref<640x128xf32, #tpu.memory_space<vmem_shared>>
      %dma_wait3A_19 = arith.constant 0 : i32
      %dma_wait3A_20 = tpu.memref_slice %arg5[%mul3A_2, %dma_wait3A_19] : memref<10240x128xf32, #tpu.memory_space<hbm>> -> memref<640x128xf32, #tpu.memory_space<hbm>>
      tpu.wait_dma2 semaphore(%run_scoped3A : memref<!tpu.dma_semaphore, #tpu.memory_space<semaphore_mem>>) src(%dma_wait3A_20 : memref<640x128xf32, #tpu.memory_space<hbm>>) dst(%dma_wait3A_18 : memref<640x128xf32, #tpu.memory_space<vmem_shared>>)
      tpu.yield
    }) : () -> ()
    "tpu.region"() ({
      %run_scoped3A = tpu.sem_alloc : memref<!tpu.dma_semaphore, #tpu.memory_space<semaphore_mem>>
      %dma_start3A = arith.constant 0 : i32
      %dma_start3A_15 = arith.constant 0 : i32
      %dma_start3A_16 = tpu.memref_slice %arg3[%add3A, %dma_start3A, %dma_start3A_15] : memref<32x79x128xi32, #tpu.memory_space<hbm>> -> memref<1x79x128xi32, #tpu.memory_space<hbm>>
      %dma_start3A_17 = tpu.memref_squeeze %dma_start3A_16 : memref<1x79x128xi32, #tpu.memory_space<hbm>> -> memref<79x128xi32, #tpu.memory_space<hbm>>
      %dma_start3A_18 = arith.constant 0 : i32
      %dma_start3A_19 = arith.constant 0 : i32
      %dma_start3A_20 = tpu.memref_slice %arg3[%add3A, %dma_start3A_18, %dma_start3A_19] : memref<32x79x128xi32, #tpu.memory_space<hbm>> -> memref<1x79x128xi32, #tpu.memory_space<hbm>>
      %dma_start3A_21 = tpu.memref_squeeze %dma_start3A_20 : memref<1x79x128xi32, #tpu.memory_space<hbm>> -> memref<79x128xi32, #tpu.memory_space<hbm>>
      tpu.enqueue_dma source(%dma_start3A_21 : memref<79x128xi32, #tpu.memory_space<hbm>>) target(%arg7 : memref<79x128xi32, #tpu.memory_space<vmem>>) target_semaphore(%run_scoped3A : memref<!tpu.dma_semaphore, #tpu.memory_space<semaphore_mem>>)
      %dma_wait3A = arith.constant 0 : i32
      %dma_wait3A_22 = arith.constant 0 : i32
      %dma_wait3A_23 = tpu.memref_slice %arg3[%add3A, %dma_wait3A, %dma_wait3A_22] : memref<32x79x128xi32, #tpu.memory_space<hbm>> -> memref<1x79x128xi32, #tpu.memory_space<hbm>>
      %dma_wait3A_24 = tpu.memref_squeeze %dma_wait3A_23 : memref<1x79x128xi32, #tpu.memory_space<hbm>> -> memref<79x128xi32, #tpu.memory_space<hbm>>
      %dma_wait3A_25 = arith.constant 0 : i32
      %dma_wait3A_26 = arith.constant 0 : i32
      %dma_wait3A_27 = tpu.memref_slice %arg3[%add3A, %dma_wait3A_25, %dma_wait3A_26] : memref<32x79x128xi32, #tpu.memory_space<hbm>> -> memref<1x79x128xi32, #tpu.memory_space<hbm>>
      %dma_wait3A_28 = tpu.memref_squeeze %dma_wait3A_27 : memref<1x79x128xi32, #tpu.memory_space<hbm>> -> memref<79x128xi32, #tpu.memory_space<hbm>>
      tpu.wait_dma2 semaphore(%run_scoped3A : memref<!tpu.dma_semaphore, #tpu.memory_space<semaphore_mem>>) src(%dma_wait3A_28 : memref<79x128xi32, #tpu.memory_space<hbm>>) dst(%arg7 : memref<79x128xi32, #tpu.memory_space<vmem>>)
      tpu.yield
    }) : () -> ()
    "tpu.region"() ({
      %run_scoped3A = tpu.sem_alloc : memref<!tpu.dma_semaphore, #tpu.memory_space<semaphore_mem>>
      %dma_start3A = arith.constant 0 : i32
      %dma_start3A_15 = arith.constant 0 : i32
      %dma_start3A_16 = tpu.memref_slice %arg4[%add3A, %dma_start3A, %dma_start3A_15] : memref<32x79x128xi32, #tpu.memory_space<hbm>> -> memref<1x79x128xi32, #tpu.memory_space<hbm>>
      %dma_start3A_17 = tpu.memref_squeeze %dma_start3A_16 : memref<1x79x128xi32, #tpu.memory_space<hbm>> -> memref<79x128xi32, #tpu.memory_space<hbm>>
      %dma_start3A_18 = arith.constant 0 : i32
      %dma_start3A_19 = arith.constant 0 : i32
      %dma_start3A_20 = tpu.memref_slice %arg4[%add3A, %dma_start3A_18, %dma_start3A_19] : memref<32x79x128xi32, #tpu.memory_space<hbm>> -> memref<1x79x128xi32, #tpu.memory_space<hbm>>
      %dma_start3A_21 = tpu.memref_squeeze %dma_start3A_20 : memref<1x79x128xi32, #tpu.memory_space<hbm>> -> memref<79x128xi32, #tpu.memory_space<hbm>>
      tpu.enqueue_dma source(%dma_start3A_21 : memref<79x128xi32, #tpu.memory_space<hbm>>) target(%arg8 : memref<79x128xi32, #tpu.memory_space<vmem>>) target_semaphore(%run_scoped3A : memref<!tpu.dma_semaphore, #tpu.memory_space<semaphore_mem>>)
      %dma_wait3A = arith.constant 0 : i32
      %dma_wait3A_22 = arith.constant 0 : i32
      %dma_wait3A_23 = tpu.memref_slice %arg4[%add3A, %dma_wait3A, %dma_wait3A_22] : memref<32x79x128xi32, #tpu.memory_space<hbm>> -> memref<1x79x128xi32, #tpu.memory_space<hbm>>
      %dma_wait3A_24 = tpu.memref_squeeze %dma_wait3A_23 : memref<1x79x128xi32, #tpu.memory_space<hbm>> -> memref<79x128xi32, #tpu.memory_space<hbm>>
      %dma_wait3A_25 = arith.constant 0 : i32
      %dma_wait3A_26 = arith.constant 0 : i32
      %dma_wait3A_27 = tpu.memref_slice %arg4[%add3A, %dma_wait3A_25, %dma_wait3A_26] : memref<32x79x128xi32, #tpu.memory_space<hbm>> -> memref<1x79x128xi32, #tpu.memory_space<hbm>>
      %dma_wait3A_28 = tpu.memref_squeeze %dma_wait3A_27 : memref<1x79x128xi32, #tpu.memory_space<hbm>> -> memref<79x128xi32, #tpu.memory_space<hbm>>
      tpu.wait_dma2 semaphore(%run_scoped3A : memref<!tpu.dma_semaphore, #tpu.memory_space<semaphore_mem>>) src(%dma_wait3A_28 : memref<79x128xi32, #tpu.memory_space<hbm>>) dst(%arg8 : memref<79x128xi32, #tpu.memory_space<vmem>>)
      tpu.yield
    }) : () -> ()
    %barrier3A = arith.constant 0 : index
    tpu.barrier barrier_id(%barrier3A)
    %scan3A = arith.constant 0 : i32
    %scan3A_5 = arith.constant 0 : i32
    %scan3A_6 = arith.constant 79 : i32
    %scan3A_7 = arith.addi %scan3A_5, %scan3A_6 : i32
    %scan3A_8 = arith.constant 1 : i32
    scf.for %scan3A_15 = %scan3A_5 to %scan3A_7 step %scan3A_8  : i32 {
      %dma_start3A = arith.constant 0 : i32
      %dma_start3A_16 = tpu.memref_slice %arg7[%scan3A_15, %dma_start3A] : memref<79x128xi32, #tpu.memory_space<vmem>> -> memref<1x128xi32, #tpu.memory_space<vmem>>
      %dma_start3A_17 = tpu.memref_squeeze %dma_start3A_16 : memref<1x128xi32, #tpu.memory_space<vmem>> -> memref<128xi32, #tpu.memory_space<vmem>>
      %dma_start3A_18 = arith.constant 0 : i32
      %dma_start3A_19 = arith.constant 0 : i32
      %dma_start3A_20 = tpu.memref_slice %arg2[%dma_start3A_18, %dma_start3A_19] : memref<10240x128xf32, #tpu.memory_space<hbm>> -> memref<10240x128xf32, #tpu.memory_space<hbm>>
      tpu.enqueue_indirect_dma source(%dma_start3A_20 : memref<10240x128xf32, #tpu.memory_space<hbm>>) target(%arg9 : memref<128x128xf32, #tpu.memory_space<vmem>>) offsets(%dma_start3A_17 : memref<128xi32, #tpu.memory_space<vmem>>) semaphore(%arg11 : memref<!tpu.dma_semaphore, #tpu.memory_space<semaphore_mem>>)
      %dma_wait3A = arith.constant 0 : i32
      %dma_wait3A_21 = tpu.memref_slice %arg7[%scan3A_15, %dma_wait3A] : memref<79x128xi32, #tpu.memory_space<vmem>> -> memref<1x128xi32, #tpu.memory_space<vmem>>
      %dma_wait3A_22 = tpu.memref_squeeze %dma_wait3A_21 : memref<1x128xi32, #tpu.memory_space<vmem>> -> memref<128xi32, #tpu.memory_space<vmem>>
      %dma_wait3A_23 = arith.constant 0 : i32
      %dma_wait3A_24 = arith.constant 0 : i32
      %dma_wait3A_25 = tpu.memref_slice %arg2[%dma_wait3A_23, %dma_wait3A_24] : memref<10240x128xf32, #tpu.memory_space<hbm>> -> memref<10240x128xf32, #tpu.memory_space<hbm>>
      tpu.wait_indirect_dma semaphore(%arg11 : memref<!tpu.dma_semaphore, #tpu.memory_space<semaphore_mem>>) src(%dma_wait3A_25 : memref<10240x128xf32, #tpu.memory_space<hbm>>) dst(%arg9 : memref<128x128xf32, #tpu.memory_space<vmem>>)
      "tpu.region"() ({
        %run_scoped3A = tpu.sem_alloc : memref<!tpu.dma_semaphore, #tpu.memory_space<semaphore_mem>>
        %dma_start3A_26 = arith.constant 0 : i32
        %dma_start3A_27 = tpu.memref_slice %arg8[%scan3A_15, %dma_start3A_26] : memref<79x128xi32, #tpu.memory_space<vmem>> -> memref<1x128xi32, #tpu.memory_space<vmem>>
        %dma_start3A_28 = tpu.memref_squeeze %dma_start3A_27 : memref<1x128xi32, #tpu.memory_space<vmem>> -> memref<128xi32, #tpu.memory_space<vmem>>
        %dma_start3A_29 = arith.constant 0 : i32
        %dma_start3A_30 = arith.constant 0 : i32
        %dma_start3A_31 = tpu.memref_slice %arg10[%dma_start3A_29, %dma_start3A_30] : memref<10240x128xf32, #tpu.memory_space<vmem_shared>> -> memref<10240x128xf32, #tpu.memory_space<vmem_shared>>
        tpu.enqueue_indirect_dma source(%arg9 : memref<128x128xf32, #tpu.memory_space<vmem>>) target(%dma_start3A_31 : memref<10240x128xf32, #tpu.memory_space<vmem_shared>>) offsets(%dma_start3A_28 : memref<128xi32, #tpu.memory_space<vmem>>) semaphore(%run_scoped3A : memref<!tpu.dma_semaphore, #tpu.memory_space<semaphore_mem>>) {add = true}
        %dma_wait3A_32 = arith.constant 0 : i32
        %dma_wait3A_33 = tpu.memref_slice %arg8[%scan3A_15, %dma_wait3A_32] : memref<79x128xi32, #tpu.memory_space<vmem>> -> memref<1x128xi32, #tpu.memory_space<vmem>>
        %dma_wait3A_34 = tpu.memref_squeeze %dma_wait3A_33 : memref<1x128xi32, #tpu.memory_space<vmem>> -> memref<128xi32, #tpu.memory_space<vmem>>
        %dma_wait3A_35 = arith.constant 0 : i32
        %dma_wait3A_36 = arith.constant 0 : i32
        %dma_wait3A_37 = tpu.memref_slice %arg10[%dma_wait3A_35, %dma_wait3A_36] : memref<10240x128xf32, #tpu.memory_space<vmem_shared>> -> memref<10240x128xf32, #tpu.memory_space<vmem_shared>>
        tpu.wait_indirect_dma semaphore(%run_scoped3A : memref<!tpu.dma_semaphore, #tpu.memory_space<semaphore_mem>>) src(%arg9 : memref<128x128xf32, #tpu.memory_space<vmem>>) dst(%dma_wait3A_37 : memref<10240x128xf32, #tpu.memory_space<vmem_shared>>)
        tpu.yield
      }) : () -> ()
    }
    %scan3A_9 = arith.constant 79 : i32
    %barrier3A_10 = arith.constant 0 : index
    tpu.barrier barrier_id(%barrier3A_10)
    %mul3A_11 = arith.constant 640 : i32
    %mul3A_12 = arith.muli %arg1, %mul3A_11 : i32
    %mul3A_13 = arith.constant 640 : i32
    %mul3A_14 = arith.muli %arg1, %mul3A_13 : i32
    "tpu.region"() ({
      %run_scoped3A = tpu.sem_alloc : memref<!tpu.dma_semaphore, #tpu.memory_space<semaphore_mem>>
      %dma_start3A = arith.constant 0 : i32
      %dma_start3A_15 = tpu.memref_slice %arg6[%arg0, %mul3A_14, %dma_start3A] : memref<2x10240x128xf32, #tpu.memory_space<hbm>> -> memref<1x640x128xf32, #tpu.memory_space<hbm>>
      %dma_start3A_16 = tpu.memref_squeeze %dma_start3A_15 : memref<1x640x128xf32, #tpu.memory_space<hbm>> -> memref<640x128xf32, #tpu.memory_space<hbm>>
      %dma_start3A_17 = arith.constant 0 : i32
      %dma_start3A_18 = tpu.memref_slice %arg10[%mul3A_12, %dma_start3A_17] : memref<10240x128xf32, #tpu.memory_space<vmem_shared>> -> memref<640x128xf32, #tpu.memory_space<vmem_shared>>
      tpu.enqueue_dma source(%dma_start3A_18 : memref<640x128xf32, #tpu.memory_space<vmem_shared>>) target(%dma_start3A_16 : memref<640x128xf32, #tpu.memory_space<hbm>>) target_semaphore(%run_scoped3A : memref<!tpu.dma_semaphore, #tpu.memory_space<semaphore_mem>>)
      %dma_wait3A = arith.constant 0 : i32
      %dma_wait3A_19 = tpu.memref_slice %arg6[%arg0, %mul3A_14, %dma_wait3A] : memref<2x10240x128xf32, #tpu.memory_space<hbm>> -> memref<1x640x128xf32, #tpu.memory_space<hbm>>
      %dma_wait3A_20 = tpu.memref_squeeze %dma_wait3A_19 : memref<1x640x128xf32, #tpu.memory_space<hbm>> -> memref<640x128xf32, #tpu.memory_space<hbm>>
      %dma_wait3A_21 = arith.constant 0 : i32
      %dma_wait3A_22 = tpu.memref_slice %arg10[%mul3A_12, %dma_wait3A_21] : memref<10240x128xf32, #tpu.memory_space<vmem_shared>> -> memref<640x128xf32, #tpu.memory_space<vmem_shared>>
      tpu.wait_dma2 semaphore(%run_scoped3A : memref<!tpu.dma_semaphore, #tpu.memory_space<semaphore_mem>>) src(%dma_wait3A_22 : memref<640x128xf32, #tpu.memory_space<vmem_shared>>) dst(%dma_wait3A_20 : memref<640x128xf32, #tpu.memory_space<hbm>>)
      tpu.yield
    }) : () -> ()
    return
  }
}

module attributes {stable_mosaic.version = 14 : i64} {
  func.func @body(%arg0: i32, %arg1: memref<2x1024x128xf32, #tpu.memory_space<vmem>>, %arg2: memref<2x1024x128xf32, #tpu.memory_space<vmem>>, %arg3: memref<1024x128xf32, #tpu.memory_space<vmem>>, %arg4: memref<128x128xf32, #tpu.memory_space<vmem>>, %arg5: memref<128x128xf32, #tpu.memory_space<vmem>>, %arg6: memref<1x128xf32, #tpu.memory_space<vmem>>, %arg7: memref<1024x128xf32, #tpu.memory_space<vmem>>) attributes {dimension_semantics = [#tpu.dimension_semantics<arbitrary>], iteration_bounds = array<i64: 10>, scalar_prefetch = 0 : i64, scratch_operands = 0 : i64, tpu.core_type = #tpu.core_type<tc>, window_params = [{transform_indices = @transform_0, window_bounds = array<i64: 2, 1024, 128>}, {transform_indices = @transform_1, window_bounds = array<i64: 2, 1024, 128>}, {transform_indices = @transform_2, window_bounds = array<i64: 1024, 128>}, {pipeline_mode = #tpu.pipeline_mode<synchronous>, transform_indices = @transform_3, window_bounds = array<i64: 128, 128>}, {pipeline_mode = #tpu.pipeline_mode<synchronous>, transform_indices = @transform_4, window_bounds = array<i64: 128, 128>}, {pipeline_mode = #tpu.pipeline_mode<synchronous>, transform_indices = @transform_5, window_bounds = array<i64: 1, 128>}, {transform_indices = @transform_6, window_bounds = array<i64: 1024, 128>}]} {
    %get3A = arith.constant 0 : index
    %get3A_0 = arith.constant 0 : index
    %get3A_1 = arith.constant 0 : index
    %get3A_2 = vector.load %arg1[%get3A, %get3A_0, %get3A_1] : memref<2x1024x128xf32, #tpu.memory_space<vmem>>, vector<1x1024x128xf32>
    %get3A_3 = vector.shape_cast %get3A_2 : vector<1x1024x128xf32> to vector<1024x128xf32>
    %get3A_4 = arith.constant 1 : index
    %get3A_5 = arith.constant 0 : index
    %get3A_6 = arith.constant 0 : index
    %get3A_7 = vector.load %arg1[%get3A_4, %get3A_5, %get3A_6] : memref<2x1024x128xf32, #tpu.memory_space<vmem>>, vector<1x1024x128xf32>
    %get3A_8 = vector.shape_cast %get3A_7 : vector<1x1024x128xf32> to vector<1024x128xf32>
    %add3A = arith.addf %get3A_3, %get3A_8 : vector<1024x128xf32>
    %get3A_9 = arith.constant 0 : index
    %get3A_10 = arith.constant 0 : index
    %get3A_11 = arith.constant 0 : index
    %get3A_12 = vector.load %arg2[%get3A_9, %get3A_10, %get3A_11] : memref<2x1024x128xf32, #tpu.memory_space<vmem>>, vector<1x1024x128xf32>
    %get3A_13 = vector.shape_cast %get3A_12 : vector<1x1024x128xf32> to vector<1024x128xf32>
    %slice3A = vector.extract_strided_slice %get3A_13 {offsets = [0, 0], sizes = [1024, 1], strides = [1, 1]} : vector<1024x128xf32> to vector<1024x1xf32>
    %get3A_14 = arith.constant 1 : index
    %get3A_15 = arith.constant 0 : index
    %get3A_16 = arith.constant 0 : index
    %get3A_17 = vector.load %arg2[%get3A_14, %get3A_15, %get3A_16] : memref<2x1024x128xf32, #tpu.memory_space<vmem>>, vector<1x1024x128xf32>
    %get3A_18 = vector.shape_cast %get3A_17 : vector<1x1024x128xf32> to vector<1024x128xf32>
    %slice3A_19 = vector.extract_strided_slice %get3A_18 {offsets = [0, 0], sizes = [1024, 1], strides = [1, 1]} : vector<1024x128xf32> to vector<1024x1xf32>
    %add3A_20 = arith.addf %slice3A, %slice3A_19 : vector<1024x1xf32>
    %max3A = arith.constant 1.000000e+00 : f32
    %max3A_21 = vector.broadcast %max3A : f32 to vector<1024x1xf32>
    %max3A_22 = arith.maximumf %add3A_20, %max3A_21 : vector<1024x1xf32>
    %div3A = arith.constant 1.000000e+00 : f32
    %div3A_23 = vector.broadcast %div3A : f32 to vector<1024x1xf32>
    %div3A_24 = arith.divf %div3A_23, %max3A_22 : vector<1024x1xf32>
    %mul3A = vector.broadcast %div3A_24 : vector<1024x1xf32> to vector<1024x128xf32>
    %mul3A_25 = arith.mulf %add3A, %mul3A : vector<1024x128xf32>
    %get3A_26 = arith.constant 0 : index
    %get3A_27 = arith.constant 0 : index
    %get3A_28 = vector.load %arg4[%get3A_26, %get3A_27] : memref<128x128xf32, #tpu.memory_space<vmem>>, vector<128x128xf32>
    %dot_general3A = arith.constant dense<0.000000e+00> : vector<1024x128xf32>
    %dot_general3A_29 = tpu.matmul %mul3A_25, %get3A_28, %dot_general3A {dimension_numbers = #tpu.dot_dimension_numbers<[1], [0], [0], [1], [0, 0, 1, 1], [], []>, transpose_lhs_hint = false} : vector<1024x128xf32>, vector<128x128xf32>, vector<1024x128xf32> -> vector<1024x128xf32>
    %get3A_30 = arith.constant 0 : index
    %get3A_31 = arith.constant 0 : index
    %get3A_32 = vector.load %arg3[%get3A_30, %get3A_31] : memref<1024x128xf32, #tpu.memory_space<vmem>>, vector<1024x128xf32>
    %get3A_33 = arith.constant 0 : index
    %get3A_34 = arith.constant 0 : index
    %get3A_35 = vector.load %arg5[%get3A_33, %get3A_34] : memref<128x128xf32, #tpu.memory_space<vmem>>, vector<128x128xf32>
    %dot_general3A_36 = arith.constant dense<0.000000e+00> : vector<1024x128xf32>
    %dot_general3A_37 = tpu.matmul %get3A_32, %get3A_35, %dot_general3A_36 {dimension_numbers = #tpu.dot_dimension_numbers<[1], [0], [0], [1], [0, 0, 1, 1], [], []>, transpose_lhs_hint = false} : vector<1024x128xf32>, vector<128x128xf32>, vector<1024x128xf32> -> vector<1024x128xf32>
    %add3A_38 = arith.addf %dot_general3A_29, %dot_general3A_37 : vector<1024x128xf32>
    %get3A_39 = arith.constant 0 : index
    %get3A_40 = arith.constant 0 : index
    %get3A_41 = vector.load %arg6[%get3A_39, %get3A_40] : memref<1x128xf32, #tpu.memory_space<vmem>>, vector<1x128xf32>
    %add3A_42 = vector.broadcast %get3A_41 : vector<1x128xf32> to vector<1024x128xf32>
    %add3A_43 = arith.addf %add3A_38, %add3A_42 : vector<1024x128xf32>
    %gt3A = arith.constant 0.000000e+00 : f32
    %gt3A_44 = vector.broadcast %gt3A : f32 to vector<1024x128xf32>
    %gt3A_45 = arith.cmpf ogt, %add3A_43, %gt3A_44 : vector<1024x128xf32>
    %min3A = arith.constant 0.000000e+00 : f32
    %min3A_46 = vector.broadcast %min3A : f32 to vector<1024x128xf32>
    %min3A_47 = arith.minimumf %add3A_43, %min3A_46 : vector<1024x128xf32>
    %exp3A = math.exp %min3A_47 : vector<1024x128xf32>
    %sub3A = arith.constant 1.000000e+00 : f32
    %sub3A_48 = vector.broadcast %sub3A : f32 to vector<1024x128xf32>
    %sub3A_49 = arith.subf %exp3A, %sub3A_48 : vector<1024x128xf32>
    %select_n3A = arith.select %gt3A_45, %add3A_43, %sub3A_49 : vector<1024x128xi1>, vector<1024x128xf32>
    %swap3A = arith.constant 0 : index
    %swap3A_50 = arith.constant 0 : index
    %swap3A_51 = vector.load %arg7[%swap3A, %swap3A_50] : memref<1024x128xf32, #tpu.memory_space<vmem>>, vector<1024x128xf32>
    tpu.vector_store %arg7[%swap3A, %swap3A_50], %select_n3A {strides = array<i32>} : memref<1024x128xf32, #tpu.memory_space<vmem>>, vector<1024x128xf32>,
    return
  }
  func.func @transform_0(%arg0: i32) -> (i32, i32, i32) {
    %c0_i32 = arith.constant 0 : i32
    %c0_i32_0 = arith.constant 0 : i32
    %c0_i32_1 = arith.constant 0 : i32
    return %c0_i32, %arg0, %c0_i32_0 : i32, i32, i32
  }
  func.func @transform_1(%arg0: i32) -> (i32, i32, i32) {
    %c0_i32 = arith.constant 0 : i32
    %c0_i32_0 = arith.constant 0 : i32
    %c0_i32_1 = arith.constant 0 : i32
    return %c0_i32, %arg0, %c0_i32_0 : i32, i32, i32
  }
  func.func @transform_2(%arg0: i32) -> (i32, i32) {
    %c0_i32 = arith.constant 0 : i32
    %c0_i32_0 = arith.constant 0 : i32
    return %arg0, %c0_i32 : i32, i32
  }
  func.func @transform_3(%arg0: i32) -> (i32, i32) {
    %c0_i32 = arith.constant 0 : i32
    %c0_i32_0 = arith.constant 0 : i32
    %c0_i32_1 = arith.constant 0 : i32
    return %c0_i32, %c0_i32_0 : i32, i32
  }
  func.func @transform_4(%arg0: i32) -> (i32, i32) {
    %c0_i32 = arith.constant 0 : i32
    %c0_i32_0 = arith.constant 0 : i32
    %c0_i32_1 = arith.constant 0 : i32
    return %c0_i32, %c0_i32_0 : i32, i32
  }
  func.func @transform_5(%arg0: i32) -> (i32, i32) {
    %c0_i32 = arith.constant 0 : i32
    %c0_i32_0 = arith.constant 0 : i32
    %c0_i32_1 = arith.constant 0 : i32
    return %c0_i32, %c0_i32_0 : i32, i32
  }
  func.func @transform_6(%arg0: i32) -> (i32, i32) {
    %c0_i32 = arith.constant 0 : i32
    %c0_i32_0 = arith.constant 0 : i32
    return %arg0, %c0_i32 : i32, i32
  }
}

module attributes {stable_mosaic.version = 14 : i64} {
  func.func @body(%arg0: i32, %arg1: memref<2x1024x128xf32, #tpu.memory_space<vmem>>, %arg2: memref<2x1024x128xf32, #tpu.memory_space<vmem>>, %arg3: memref<1024x128xf32, #tpu.memory_space<vmem>>, %arg4: memref<128x128xf32, #tpu.memory_space<vmem>>, %arg5: memref<128x128xf32, #tpu.memory_space<vmem>>, %arg6: memref<1x128xf32, #tpu.memory_space<vmem>>, %arg7: memref<1024x128xf32, #tpu.memory_space<vmem>>) attributes {dimension_semantics = [#tpu.dimension_semantics<arbitrary>], iteration_bounds = array<i64: 10>, scalar_prefetch = 0 : i64, scratch_operands = 0 : i64, tpu.core_type = #tpu.core_type<tc>, window_params = [{transform_indices = @transform_0, window_bounds = array<i64: 2, 1024, 128>}, {transform_indices = @transform_1, window_bounds = array<i64: 2, 1024, 128>}, {transform_indices = @transform_2, window_bounds = array<i64: 1024, 128>}, {pipeline_mode = #tpu.pipeline_mode<synchronous>, transform_indices = @transform_3, window_bounds = array<i64: 128, 128>}, {pipeline_mode = #tpu.pipeline_mode<synchronous>, transform_indices = @transform_4, window_bounds = array<i64: 128, 128>}, {pipeline_mode = #tpu.pipeline_mode<synchronous>, transform_indices = @transform_5, window_bounds = array<i64: 1, 128>}, {transform_indices = @transform_6, window_bounds = array<i64: 1024, 128>}]} {
    %get3A = arith.constant 0 : index
    %get3A_0 = arith.constant 0 : index
    %get3A_1 = arith.constant 0 : index
    %get3A_2 = vector.load %arg1[%get3A, %get3A_0, %get3A_1] : memref<2x1024x128xf32, #tpu.memory_space<vmem>>, vector<1x1024x128xf32>
    %get3A_3 = vector.shape_cast %get3A_2 : vector<1x1024x128xf32> to vector<1024x128xf32>
    %get3A_4 = arith.constant 1 : index
    %get3A_5 = arith.constant 0 : index
    %get3A_6 = arith.constant 0 : index
    %get3A_7 = vector.load %arg1[%get3A_4, %get3A_5, %get3A_6] : memref<2x1024x128xf32, #tpu.memory_space<vmem>>, vector<1x1024x128xf32>
    %get3A_8 = vector.shape_cast %get3A_7 : vector<1x1024x128xf32> to vector<1024x128xf32>
    %add3A = arith.addf %get3A_3, %get3A_8 : vector<1024x128xf32>
    %get3A_9 = arith.constant 0 : index
    %get3A_10 = arith.constant 0 : index
    %get3A_11 = arith.constant 0 : index
    %get3A_12 = vector.load %arg2[%get3A_9, %get3A_10, %get3A_11] : memref<2x1024x128xf32, #tpu.memory_space<vmem>>, vector<1x1024x128xf32>
    %get3A_13 = vector.shape_cast %get3A_12 : vector<1x1024x128xf32> to vector<1024x128xf32>
    %slice3A = vector.extract_strided_slice %get3A_13 {offsets = [0, 0], sizes = [1024, 1], strides = [1, 1]} : vector<1024x128xf32> to vector<1024x1xf32>
    %get3A_14 = arith.constant 1 : index
    %get3A_15 = arith.constant 0 : index
    %get3A_16 = arith.constant 0 : index
    %get3A_17 = vector.load %arg2[%get3A_14, %get3A_15, %get3A_16] : memref<2x1024x128xf32, #tpu.memory_space<vmem>>, vector<1x1024x128xf32>
    %get3A_18 = vector.shape_cast %get3A_17 : vector<1x1024x128xf32> to vector<1024x128xf32>
    %slice3A_19 = vector.extract_strided_slice %get3A_18 {offsets = [0, 0], sizes = [1024, 1], strides = [1, 1]} : vector<1024x128xf32> to vector<1024x1xf32>
    %add3A_20 = arith.addf %slice3A, %slice3A_19 : vector<1024x1xf32>
    %max3A = arith.constant 1.000000e+00 : f32
    %max3A_21 = vector.broadcast %max3A : f32 to vector<1024x1xf32>
    %max3A_22 = arith.maximumf %add3A_20, %max3A_21 : vector<1024x1xf32>
    %div3A = arith.constant 1.000000e+00 : f32
    %div3A_23 = vector.broadcast %div3A : f32 to vector<1024x1xf32>
    %div3A_24 = arith.divf %div3A_23, %max3A_22 : vector<1024x1xf32>
    %mul3A = vector.broadcast %div3A_24 : vector<1024x1xf32> to vector<1024x128xf32>
    %mul3A_25 = arith.mulf %add3A, %mul3A : vector<1024x128xf32>
    %get3A_26 = arith.constant 0 : index
    %get3A_27 = arith.constant 0 : index
    %get3A_28 = vector.load %arg4[%get3A_26, %get3A_27] : memref<128x128xf32, #tpu.memory_space<vmem>>, vector<128x128xf32>
    %dot_general3A = arith.constant dense<0.000000e+00> : vector<1024x128xf32>
    %dot_general3A_29 = tpu.matmul %mul3A_25, %get3A_28, %dot_general3A {dimension_numbers = #tpu.dot_dimension_numbers<[1], [0], [0], [1], [0, 0, 1, 1], [], []>, transpose_lhs_hint = false} : vector<1024x128xf32>, vector<128x128xf32>, vector<1024x128xf32> -> vector<1024x128xf32>
    %get3A_30 = arith.constant 0 : index
    %get3A_31 = arith.constant 0 : index
    %get3A_32 = vector.load %arg3[%get3A_30, %get3A_31] : memref<1024x128xf32, #tpu.memory_space<vmem>>, vector<1024x128xf32>
    %get3A_33 = arith.constant 0 : index
    %get3A_34 = arith.constant 0 : index
    %get3A_35 = vector.load %arg5[%get3A_33, %get3A_34] : memref<128x128xf32, #tpu.memory_space<vmem>>, vector<128x128xf32>
    %dot_general3A_36 = arith.constant dense<0.000000e+00> : vector<1024x128xf32>
    %dot_general3A_37 = tpu.matmul %get3A_32, %get3A_35, %dot_general3A_36 {dimension_numbers = #tpu.dot_dimension_numbers<[1], [0], [0], [1], [0, 0, 1, 1], [], []>, transpose_lhs_hint = false} : vector<1024x128xf32>, vector<128x128xf32>, vector<1024x128xf32> -> vector<1024x128xf32>
    %add3A_38 = arith.addf %dot_general3A_29, %dot_general3A_37 : vector<1024x128xf32>
    %get3A_39 = arith.constant 0 : index
    %get3A_40 = arith.constant 0 : index
    %get3A_41 = vector.load %arg6[%get3A_39, %get3A_40] : memref<1x128xf32, #tpu.memory_space<vmem>>, vector<1x128xf32>
    %add3A_42 = vector.broadcast %get3A_41 : vector<1x128xf32> to vector<1024x128xf32>
    %add3A_43 = arith.addf %add3A_38, %add3A_42 : vector<1024x128xf32>
    %abs3A = math.absf %add3A_43 : vector<1024x128xf32>
    %neg3A = arith.constant 0.000000e+00 : f32
    %neg3A_44 = vector.broadcast %neg3A : f32 to vector<1024x128xf32>
    %neg3A_45 = arith.subf %neg3A_44, %abs3A : vector<1024x128xf32>
    %exp3A = math.exp %neg3A_45 : vector<1024x128xf32>
    %ge3A = arith.constant 0.000000e+00 : f32
    %ge3A_46 = vector.broadcast %ge3A : f32 to vector<1024x128xf32>
    %ge3A_47 = arith.cmpf oge, %add3A_43, %ge3A_46 : vector<1024x128xf32>
    %add3A_48 = arith.constant 1.000000e+00 : f32
    %add3A_49 = vector.broadcast %add3A_48 : f32 to vector<1024x128xf32>
    %add3A_50 = arith.addf %add3A_49, %exp3A : vector<1024x128xf32>
    %div3A_51 = arith.constant 1.000000e+00 : f32
    %div3A_52 = vector.broadcast %div3A_51 : f32 to vector<1024x128xf32>
    %div3A_53 = arith.divf %div3A_52, %add3A_50 : vector<1024x128xf32>
    %add3A_54 = arith.constant 1.000000e+00 : f32
    %add3A_55 = vector.broadcast %add3A_54 : f32 to vector<1024x128xf32>
    %add3A_56 = arith.addf %add3A_55, %exp3A : vector<1024x128xf32>
    %div3A_57 = arith.divf %exp3A, %add3A_56 : vector<1024x128xf32>
    %select_n3A = arith.select %ge3A_47, %div3A_53, %div3A_57 : vector<1024x128xi1>, vector<1024x128xf32>
    %swap3A = arith.constant 0 : index
    %swap3A_58 = arith.constant 0 : index
    %swap3A_59 = vector.load %arg7[%swap3A, %swap3A_58] : memref<1024x128xf32, #tpu.memory_space<vmem>>, vector<1024x128xf32>
    tpu.vector_store %arg7[%swap3A, %swap3A_58], %select_n3A {strides = array<i32>} : memref<1024x128xf32, #tpu.memory_space<vmem>>, vector<1024x128xf32>,
    return
  }
  func.func @transform_0(%arg0: i32) -> (i32, i32, i32) {
    %c0_i32 = arith.constant 0 : i32
    %c0_i32_0 = arith.constant 0 : i32
    %c0_i32_1 = arith.constant 0 : i32
    return %c0_i32, %arg0, %c0_i32_0 : i32, i32, i32
  }
  func.func @transform_1(%arg0: i32) -> (i32, i32, i32) {
    %c0_i32 = arith.constant 0 : i32
    %c0_i32_0 = arith.constant 0 : i32
    %c0_i32_1 = arith.constant 0 : i32
    return %c0_i32, %arg0, %c0_i32_0 : i32, i32, i32
  }
  func.func @transform_2(%arg0: i32) -> (i32, i32) {
    %c0_i32 = arith.constant 0 : i32
    %c0_i32_0 = arith.constant 0 : i32
    return %arg0, %c0_i32 : i32, i32
  }
  func.func @transform_3(%arg0: i32) -> (i32, i32) {
    %c0_i32 = arith.constant 0 : i32
    %c0_i32_0 = arith.constant 0 : i32
    %c0_i32_1 = arith.constant 0 : i32
    return %c0_i32, %c0_i32_0 : i32, i32
  }
  func.func @transform_4(%arg0: i32) -> (i32, i32) {
    %c0_i32 = arith.constant 0 : i32
    %c0_i32_0 = arith.constant 0 : i32
    %c0_i32_1 = arith.constant 0 : i32
    return %c0_i32, %c0_i32_0 : i32, i32
  }
  func.func @transform_5(%arg0: i32) -> (i32, i32) {
    %c0_i32 = arith.constant 0 : i32
    %c0_i32_0 = arith.constant 0 : i32
    %c0_i32_1 = arith.constant 0 : i32
    return %c0_i32, %c0_i32_0 : i32, i32
  }
  func.func @transform_6(%arg0: i32) -> (i32, i32) {
    %c0_i32 = arith.constant 0 : i32
    %c0_i32_0 = arith.constant 0 : i32
    return %arg0, %c0_i32 : i32, i32
  }
}

</mosaic_0001>

<sc_bundles>
// kernel: kernel.11.cloned.1.call-start
scs
__scs_entry_jumppad:
0x0: {  	(pc) =	sbr.rel $0x88, $3  }
0x1: {  	(tag) =	ssettag $0x0;
	lr =	simm.s32 $0x1  }
0x2: {  	[smem:$0x3F93] =	sst lr;
	_ =	strace $0xD0000000  }
0x3: {  	_ = 	snop  }
0x4: {  	_ = 	snop  }
0x5: {  	_ = 	snop  }
0x6: {  	_ = 	snop  }
0x7: {  	_ = 	snop  }
__scs_overlays_trampoline_lowered:
0x8: {  	[smem:$0x3FA2] =	sst s0  }
0x9: {  	[smem:$0x3FA3] =	sst s1  }
0xa: {  	[smem:$0x3FA4] =	sst s2  }
0xb: {  	[smem:$0x3FA5] =	sst s3  }
0xc: {  	[smem:$0x3FA6] =	sst s4  }
0xd: {  	[smem:$0x3FA7] =	sst s5  }
0xe: {  	[smem:$0x3FA8] =	sst s6  }
0xf: {  	[smem:$0x3FA9] =	sst s7  }
0x10: {  	[smem:$0x3FAA] =	sst s8  }
0x11: {  	[smem:$0x3FAB] =	sst s9;
	s0 =	simm.s32 @!p0 $0x0  }
0x12: {  	s1 =	sld [smem:$0x3F91];
	s0 =	simm.s32 @p0 $0x1  }
0x13: {  	[smem:$0x3FAC] =	sst s0;
	s0 =	simm.s32 @!p1 $0x0  }
0x14: {  	s2 =	sld [smem:$0x3F90];
	s0 =	simm.s32 @p1 $0x1  }
0x15: {  	[smem:$0x3FAD] =	sst s0;
	s0 =	simm.s32 @!p2 $0x0  }
0x16: {  	s3 =	sld [smem:$0x3FDB];
	s0 =	simm.s32 @p2 $0x1  }
0x17: {  	s4 =	simm.s32 $0x1BF5;
	[smem:$0x3FAF] =	sst s0  }
0x18: {  	s0 =	sld [smem:$0x3F92];
	_ =	swait.ge [sflag:s4], $0x0  }
0x19: {  	s7 =	sld [smem:$0x3F93]  }
0x1a: {  	s8 =	sadd.s32 $0xFFFFE003, lr  }
0x1b: {  	s9 =	sadd.s32 $0xFFFFFEF7, lr;
	s5 =	simm.s32 $0xFFFFFFFF;
	p2 =	slt.u32 s8, $0xFFFFF086  }
0x1c: {  	p1 =	slt.u32 s9, $0xF7A;
	s5 =	simm.s32 @!p2 $0x0  }
0x1d: {  	s5 =	simm.s32 @p1 $0x1;
	p0 =	seq.s32 s7, s2  }
0x1e: {  	s7 =	smul.u32 @!p0 $0xF7A, s2;
	p2 =	seq.s32 @!p0 s5, $0x0  }
0x1f: {  	s9 =	smul.u32 $0xF7A, s1;
	s8 =	simm.s32 @!p0 $0x1BF5;
	p2 =	por !p2, p0  }
0x20: {  	[sflag:s8] =	ssyncset.s32 @!p0 $0xFFFFF086;
	s6 =	sadd.s32 @!p0 s3, s7;
	s7 =	simm.s32 @!p0 $0x108  }
0x21: {  	s3 =	sadd.s32 s3, s9;
	s6 =	sadd.s32 @!p0 $0x88, s6;
	s7 =	simm.s32 @p2 $0x1082  }
0x22: {  	[simem:s7], [sflag:s8] =	dma.local @!p0 [hbm:s6], $0xF7A  }
0x23: {  	s9 =	sor.u32 $0xD0000000, s2;
	s6 =	simm.s32 $0x108;
	_ =	swait.ge @!p0 [sflag:s8], $0x0  }
0x24: {  	s3 =	sadd.s32 $0x88, s3;
	s6 =	simm.s32 @!p1 $0x1082;
	[sflag:s4] =	ssyncset.s32 $0xFFFFF086  }
0x25: {  	[simem:s6], [sflag:s4] =	dma.local [hbm:s3], $0xF7A  }
0x26: {  	[smem:$0x3F93] =	sst s1;
	(tag) =	ssettag s2;
	_ =	strace s9  }
0x27: {  	s1 =	sld [smem:$0x3FA3]  }
0x28: {  	s2 =	sld [smem:$0x3FA4]  }
0x29: {  	s4 =	sld [smem:$0x3FA6]  }
0x2a: {  	p0 =	seq.s32 s5, $0x0;
	s5 =	sld [smem:$0x3FA7]  }
0x2b: {  	s6 =	sld [smem:$0x3FA8]  }
0x2c: {  	s7 =	sld [smem:$0x3FA9]  }
0x2d: {  	s3 =	simm.s32 $0x108;
	s8 =	sld [smem:$0x3FAA]  }
0x2e: {  	s3 =	simm.s32 @!p0 $0x1082;
	s9 =	sld [smem:$0x3FAB]  }
0x2f: {  	lr =	sadd.s32 s0, s3;
	s0 =	sld [smem:$0x3FA2]  }
0x30: {  	s3 =	sld [smem:$0x3FA5]  }
0x31: {  	[smem:$0x3FAE] =	sst s10  }
0x32: {  	s10 =	sld [smem:$0x3FAC];
	_ =	sdelay $0x3  }
0x33: {  	p0 =	seq.s32 s10, $0x1;
	s10 =	sld [smem:$0x3FAE];
	_ =	sdelay $0x3  }
0x34: {  	[smem:$0x3FAE] =	sst s10  }
0x35: {  	s10 =	sld [smem:$0x3FAD];
	_ =	sdelay $0x3  }
0x36: {  	p1 =	seq.s32 s10, $0x1;
	s10 =	sld [smem:$0x3FAE];
	_ =	sdelay $0x3  }
0x37: {  	[smem:$0x3FAE] =	sst s10  }
0x38: {  	s10 =	sld [smem:$0x3FAF]  }
0x39: {  	_ = 	snop;
	(pc) =	sbr.ind lr, $3  }
0x3a: {  	_ = 	snop  }
0x3b: {  	_ = 	snop  }
0x3c: {  	p2 =	seq.s32 s10, $0x1;
	s10 =	sld [smem:$0x3FAE]  }
0x3d: {  	_ =	shalt  }
0x3e: {  	_ =	shalt  }
0x3f: {  	_ =	shalt  }
0x40: {  	_ =	shalt  }
0x41: {  	_ =	shalt  }
0x42: {  	_ =	shalt  }
0x43: {  	_ =	shalt  }
0x44: {  	_ =	shalt  }
0x45: {  	_ =	shalt  }
0x46: {  	_ =	shalt  }
0x47: {  	_ =	shalt  }
0x48: {  	_ =	shalt  }
0x49: {  	_ =	shalt  }
0x4a: {  	_ =	shalt  }
0x4b: {  	_ =	shalt  }
0x4c: {  	_ =	shalt  }
0x4d: {  	_ =	shalt  }
0x4e: {  	_ =	shalt  }
0x4f: {  	_ =	shalt  }
0x50: {  	_ =	shalt  }
0x51: {  	_ =	shalt  }
0x52: {  	_ =	shalt  }
0x53: {  	_ =	shalt  }
0x54: {  	_ =	shalt  }
0x55: {  	_ =	shalt  }
0x56: {  	_ =	shalt  }
0x57: {  	_ =	shalt  }
0x58: {  	_ =	shalt  }
0x59: {  	_ =	shalt  }
0x5a: {  	_ =	shalt  }
0x5b: {  	_ =	shalt  }
0x5c: {  	_ =	shalt  }
0x5d: {  	_ =	shalt  }
0x5e: {  	_ =	shalt  }
0x5f: {  	_ =	shalt  }
0x60: {  	_ =	shalt  }
0x61: {  	_ =	shalt  }
0x62: {  	_ =	shalt  }
0x63: {  	_ =	shalt  }
0x64: {  	_ =	shalt  }
0x65: {  	_ =	shalt  }
0x66: {  	_ =	shalt  }
0x67: {  	_ =	shalt  }
0x68: {  	_ =	shalt  }
0x69: {  	_ =	shalt  }
0x6a: {  	_ =	shalt  }
0x6b: {  	_ =	shalt  }
0x6c: {  	_ =	shalt  }
0x6d: {  	_ =	shalt  }
0x6e: {  	_ =	shalt  }
0x6f: {  	_ =	shalt  }
0x70: {  	_ =	shalt  }
0x71: {  	_ =	shalt  }
0x72: {  	_ =	shalt  }
0x73: {  	_ =	shalt  }
0x74: {  	_ =	shalt  }
0x75: {  	_ =	shalt  }
0x76: {  	_ =	shalt  }
0x77: {  	_ =	shalt  }
0x78: {  	_ =	shalt  }
0x79: {  	_ =	shalt  }
0x7a: {  	_ =	shalt  }
0x7b: {  	_ =	shalt  }
0x7c: {  	_ =	shalt  }
0x7d: {  	_ =	shalt  }
0x7e: {  	_ =	shalt  }
0x7f: {  	_ =	shalt  }
0x80: {  	_ =	shalt  }
0x81: {  	_ =	shalt  }
0x82: {  	_ =	shalt  }
0x83: {  	_ =	shalt  }
0x84: {  	_ =	shalt  }
0x85: {  	_ =	shalt  }
0x86: {  	_ =	shalt  }
0x87: {  	_ =	shalt  }
.Lfunc_end0:
.L_simem_size_0:
called_computation_lowered:
.L_overlay_start_0:
0x88: {  	s2 =	sld [smem:$0x3FD9]  }
0x89: {  	s3 =	sld [smem:$0x3FFE];
	_ =	sdelay $0x1  }
0x8a: {  	s1 =	srdreg.scid  }
0x8b: {  	s0 =	sand.u32 $0x1, s1  }
0x8c: {  	s17 =	sshll.u32 s0, $0xA;
	s2 =	sadd.s32 s3, s2  }
0x8d: {  	s2 =	sadd.s32 s2, s17  }
0x8e: {  	[smem:$0x3FBA] =	sst s2  }
0x8f: {  	_ = 	snop  }
0x90: {  	(tm) =	ssettm $0x1  }
0x91: {  	s18 =	sld [smem:$0x3FFB];
	_ =	sdelay $0x3  }
0x92: {  	_ =	strace s18  }
0x93: {  	s2 =	sld [smem:$0x3FFC];
	_ =	sdelay $0x3  }
0x94: {  	_ =	strace s2  }
0x95: {  	s2 =	sld [smem:$0x3FFD];
	_ =	sdelay $0x3  }
0x96: {  	_ =	strace s2  }
0x97: {  	_ =	strace $0x8FFFFFFF  }
0x98: {  	s19 =	sld [smem:$0x3FDB];
	_ =	sdelay $0x1  }
0x99: {  	s20 =	simm.s32 $_scs_section_size  }
0x9a: {  	s4 =	simm.s32 $_size__tile_overlayer_lowered;
	s5 =	simm.s32 $_tile_overlayer_lowered  }
0x9b: {  	s6 =	simm.s32 $0x1BFF;
	s21 =	sshll.u32 s5, $0x1;
	s3 =	sadd.s32 s20, s19  }
0x9c: {  	s22 =	simm.s32 $0x0;
	s4 =	sshll.u32 s4, $0x1;
	s5 =	sadd.s32 s21, s3  }
0x9d: {  	[timem:s22], [sflag:s6] =	dma.local [hbm:s5], s4  }
0x9e: {  	_ =	swait.ge [sflag:s6], s4  }
0x9f: {  	s4 =	ssub.s32 $0x0, s4;
	[sflag:s6] =	ssyncset.done $0x0  }
0xa0: {  	[sflag:s6] =	ssyncadd.s32 s4;
	_ =	sdelay $0x1  }
0xa1: {  	s23 =	simm.s32 $0x1B8B  }
0xa2: {  	_ =	swait.ge [sflag:s23], $0x1  }
0xa3: {  	[sflag:s23] =	ssyncset.done $0x0  }
0xa4: {  	[sflag:s23] =	ssyncadd.s32 $0xFFFFFFFF  }
0xa5: {  	s4 =	sld [smem:$0x0]  }
0xa6: {  	s5 =	sand.u32 $0xFFFFFFFE, s1  }
0xa7: {  	p0 =	sne.s32 s1, s5  }
0xa8: {  	s5 =	sshll.u32 @p0 s5, $0xE  }
0xa9: {  	s5 =	sadd.s32 @p0 $0x11B8D, s5;
	s6 =	sshll.u32 @p0 s4, $0x11  }
0xaa: {  	s5 =	sor.u32 @p0 s6, s5  }
0xab: {  	[sflag:s5] =	ssyncadd.remote.s32 @p0 $0x1;
	_ =	sdelay $0x1  }
0xac: {  	s5 =	simm.s32 @p0 $0x1B8D  }
0xad: {  	_ =	swait.eq @p0 [sflag:s5], $0x1  }
0xae: {  	[sflag:s5] =	ssyncadd.s32 @p0 $0xFFFFFFFF  }
0xaf: {  	s6 =	sshll.u32 @!p0 s1, $0xE  }
0xb0: {  	s6 =	sor.u32 @!p0 $0x4000, s6;
	s5 =	simm.s32 @!p0 $0x1B8D  }
0xb1: {  	s4 =	sshll.u32 @!p0 s4, $0x11;
	s6 =	sadd.s32 @!p0 $0x11B8D, s6;
	_ =	swait.eq @!p0 [sflag:s5], $0x1  }
0xb2: {  	s4 =	sor.u32 @!p0 s4, s6;
	[sflag:s5] =	ssyncadd.s32 @!p0 $0xFFFFFFFF  }
0xb3: {  	s25 =	simm.s32 $0x1B8E;
	s24 =	sld [smem:$0x3FFE];
	[sflag:s4] =	ssyncadd.remote.s32 @!p0 $0x1  }
0xb4: {  	s26 =	simm.s32 $execute0_lowered;
	[smem:$0x3FD2] =	sst s25  }
0xb5: {  	s5 =	sshll.u32 s26, $0x1;
	_ =	strace $0x80000049;
	[dreg:$0x1] =	wrdreg $0xFFFFFFFF  }
0xb6: {  	s28 =	simm.s32 $_size_execute0_lowered;
	s3 =	sadd.s32 s3, s5;
	[dreg:$0x0] =	wrdreg $0x0  }
0xb7: {  	s5 =	sshll.u32 s28, $0x1;
	[dreg:$0x2] =	wrdreg s3  }
0xb8: {  	[dreg:$0x3] =	wrdreg s5  }
0xb9: {  	[dreg:$0x4] =	wrdreg $0xC0  }
0xba: {  	_ =	task [dreg:s22], $0x5FFFF  }
0xbb: {  	[dreg:$0x1] =	wrdreg $0xFFFFFFFF  }
0xbc: {  	[dreg:$0x0] =	wrdreg $0x60  }
0xbd: {  	[dreg:$0x2] =	wrdreg s24  }
0xbe: {  	[dreg:$0x3] =	wrdreg $0x68000  }
0xbf: {  	[dreg:$0x4] =	wrdreg $0x9  }
0xc0: {  	_ =	task.clear_ibuf [dreg:s22], $0x5FFFF;
	_ =	strace $0x90000049  }
0xc1: {  	s29 =	simm.s32 $0x9;
	_ =	strace $0x8000004B  }
0xc2: {  	_ =	swait.ge [sflag:s29], $0x1  }
0xc3: {  	[sflag:s29] =	ssyncadd.s32 $0xFFFFFFFF  }
0xc4: {  	_ =	strace $0x9000004B  }
0xc5: {  	_ =	sfence  }
0xc6: {  	s30 =	sld [smem:$0x0];
	_ =	sdelay $0x2  }
0xc7: {  	s31 =	sshll.u32 s1, $0xD;
	s1 =	sshrl.u32 s1, $0x2  }
0xc8: {  	s4 =	sand.u32 $0x4000, s31;
	s1 =	sadd.s32 s1, s30  }
0xc9: {  	s0 =	sor.u32 s4, s0;
	s1 =	sshll.u32 s1, $0x11  }
0xca: {  	s0 =	sor.u32 s1, s0  }
0xcb: {  	s0 =	sadd.s32 $0x8F2B, s0  }
0xcc: {  	[sflag:s0] =	ssyncadd.remote.s32 $0x1  }
0xcd: {  	_ =	sfence.sel $0xFFFF  }
0xce: {  	[dreg:$0x0] =	wrdreg $0xFFFFFFFF;
	(pc) =	sbr.abs _section_cstart, $3  }
0xcf: {  	[dreg:$0x1] =	wrdreg $0xFFFFFFFF  }
0xd0: {  	_ =	task.clear_ibuf [dreg:s22], $0x2FFFF;
	_ =	strace $0x9FFFFFFF  }
0xd1: {  	(tm) =	ssettm $0x7FFFFFFF  }
tec
execute0_lowered:
.L_overlay_start_1:
0x0: {  	(tag) =	ssettag $0x1  }
0x1: {  	s0 =	srdreg.scid;
	s5 =	rddreg [dreg:$0x0]  }
0x2: {  	s2 =	rddreg [dreg:$0x1];
	s4 =	sand.u32 $0x1, s0;
	s0 =	stileid.u32  }
0x3: {  	s3 =	simm.s32 $0x0;
	s14 =	simm.s32 $0x0;
	s7 =	smul.u32 $0x14000, s0  }
0x4: {  	[smem:$0x7FF] =	sst s3;
	s1 =	sshll.u32 s4, $0x4;
	s9 =	smul.u32 $0x140000, s4  }
0x5: {  	s28 =	ssub.s32 $0x2, s4;
	s29 =	smul.u32 $0x50000, s0;
	s4 =	sadd.s32 $0xAE400, s5  }
0x6: {  	s31 =	sshll.u32 s0, $0x6;
	s6 =	sor.u32 s0, s1;
	s1 =	rddreg [dreg:$0x2]  }
0x7: {  	_ =	strace $0x8000004A;
	s11 =	sshrl.u32 s28, $0x1;
	s6 =	smul.u32 $0x500, s6  }
0x8: {  	s8 =	sshrl.u32 s7, $0x3;
	s7 =	sadd.s32 s7, s9;
	s11 =	ssub.s32 s28, s11  }
0x9: {  	s30 =	sshrl.u32 s29, $0x2;
	s26 =	sadd.s32 s8, s5;
	s7 =	sshrl.u32 s7, $0x3  }
0xa: {  	s13 =	sadd.s32 s30, s2;
	s9 =	smax.u32 s11, $0x1;
	s11 =	simm.s32 $0x1  }
0xb: {  	s10 =	sadd.s32 s6, s5;
	s12 =	sadd.s32 s7, s5;
	s5 =	sadd.s32 $0x36400, s26  }
0xc: {  	s6 =	sor.u32 $0x1C01, s31;
	s7 =	sadd.s32 $0x4400, s10;
	s8 =	sadd.s32 $0xAEC00, s12  }
0xd: {  	s10 =	sshrl.u32 s13, $0x3;
	s12 =	simm.s32 $0x2800;
	s13 =	simm.s32 $0x80  }
.LBB2_1:
0xe: {  	[spmem:s10], [sflag:s6] =	dma.local [hbm:s5], $0x2800  }
0xf: {  	_ =	swait.ge [sflag:s11], $0x2800  }
0x10: {  	[sflag:s11] =	ssyncset.done $0x0  }
0x11: {  	[sflag:s11] =	ssyncadd.s32 $0xFFFFD800  }
0x12: {  	[tilespmem:s3], [sflag:$0x1] =	stream.linear.gather [hbm4b:s7+s3], $0x2780, $0x38;
	[tilespmem:$0x1A800] =	vst v63  }
0x13: {  	_ =	swait.ge [sflag:s11], $0x2780  }
0x14: {  	[sflag:s11] =	ssyncset.done $0x0  }
0x15: {  	[sflag:s11] =	ssyncadd.s32 $0xFFFFD880  }
0x16: {  	[tilespmem:s12], [sflag:$0x1] =	stream.linear.gather [hbm4b:s4+s3], $0x4000, $0x38;
	[tilespmem:$0x1A800] =	vst v63  }
0x17: {  	_ =	swait.ge [sflag:s11], $0x4000  }
0x18: {  	[sflag:s11] =	ssyncset.done $0x0  }
0x19: {  	[sflag:s11] =	ssyncadd.s32 $0xFFFFC000  }
0x1a: {  	s15 =	simm.s32 $0x0;
	[bflag:$0x0] =	sbarrier.arrive $0xFFFF  }
0x1b: {  	[spmem:s2] =	stream.indirect.scatter.add.f32 [tilespmem:s12], [sflag:$0x1], $0x80, s15, s13, $0xb8;
	[tilespmem:$0x1A800] =	vst v63  }
0x1c: {  	_ =	swait.ge [sflag:s11], $0x4000  }
0x1d: {  	s15 =	simm.s32 $0x200;
	[sflag:s11] =	ssyncset.done $0x0  }
.LBB2_2:
0x1e: {  	s16 =	sshra.s32 s15, $0x2;
	[sflag:s11] =	ssyncadd.s32 $0xFFFFC000;
	p0 =	sne.s32 s15, $0x9C00  }
0x1f: {  	[spmem:s2] =	stream.indirect.scatter.add.f32 [tilespmem:s12], [sflag:$0x1], $0x80, s16, s13, $0xb8;
	[tilespmem:$0x1A800] =	vst v63  }
.Ltmp0:
0x20: {  	_ = 	snop;
	(pc) =	sbr.rel @p0 .LBB2_2-.Ltmp0, $4  }
0x21: {  	_ = 	snop  }
0x22: {  	s15 =	sadd.s32 $0x200, s15  }
0x23: {  	_ =	swait.ge [sflag:s11], $0x4000  }
0x24: {  	[sflag:s11] =	ssyncset.done $0x0  }
0x25: {  	s14 =	sadd.s32 $0x1, s14  }
0x26: {  	[sflag:s11] =	ssyncadd.s32 $0xFFFFC000;
	p0 =	sne.s32 s14, s9  }
.Ltmp1:
0x27: {  	[bflag:$0x0] =	sbarrier.arrive $0xFFFF;
	(pc) =	sbr.rel @p0 .LBB2_1-.Ltmp1, $4  }
0x28: {  	[hbm:s8], [sflag:s6] =	dma.local [spmem:s10], $0x2800  }
0x29: {  	_ =	swait.ge [sflag:s11], $0x2800  }
0x2a: {  	[sflag:s11] =	ssyncset.done $0x0  }
0x2b: {  	[sflag:s11] =	ssyncadd.s32 $0xFFFFD800  }
0x2c: {  	_ =	sfence.sel $0x180000  }
0x2d: {  	[bflag:$0x0] =	sbarrier.arrive $0xFFFF  }
0x2e: {  	p0 =	sne.s32 s0, $0x0;
	_ =	strace $0x9000004A  }
0x2f: {  	s0 =	sadd.s32 @!p0 $0x100000, s1;
	[bflag:$0x2] =	sbarrier.arrive $0xFFFF  }
0x30: {  	[sflag:s0] =	ssyncadd.tile.s32 @!p0 $0x1;
	_ =	shalt  }
.Lfunc_end2:
_tile_overlayer_lowered:
.L_overlay_start_2:
0x31: {  	(tag) =	ssettag $0x2  }
0x32: {  	s0 =	rddreg [dreg:$0x0];
	s2 =	stileid.u32  }
0x33: {  	s1 =	rddreg [dreg:$0x1];
	p0 =	sne.s32 s2, $0x0  }
0x34: {  	s3 =	rddreg [dreg:$0x2];
	[bflag:$0x3] =	sbarrier.arrive $0xFFFF;
	s2 =	simm.s32 @!p0 $0x1C01  }
0x35: {  	[timem:s3], [sflag:s2] =	dma.local @!p0 [hbm:s0], s1  }
0x36: {  	s0 =	simm.s32 @!p0 $0x1  }
0x37: {  	_ =	swait.ge @!p0 [sflag:s0], s1  }
0x38: {  	s1 =	ssub.s32 @!p0 $0x0, s1;
	[sflag:s0] =	ssyncset.done @!p0 $0x0  }
0x39: {  	[sflag:s0] =	ssyncadd.s32 @!p0 s1  }
0x3a: {  	[bflag:$0x3] =	sbarrier.arrive $0xFFFF  }
0x3b: {  	_ =	shalt  }

// kernel: kernel.14.cloned.1.call-start
scs
__scs_entry_jumppad:
0x0: {  	(pc) =	sbr.rel $0x88, $3  }
0x1: {  	(tag) =	ssettag $0x0;
	lr =	simm.s32 $0x1  }
0x2: {  	[smem:$0x3F93] =	sst lr;
	_ =	strace $0xD0000000  }
0x3: {  	_ = 	snop  }
0x4: {  	_ = 	snop  }
0x5: {  	_ = 	snop  }
0x6: {  	_ = 	snop  }
0x7: {  	_ = 	snop  }
__scs_overlays_trampoline_lowered:
0x8: {  	[smem:$0x3FA2] =	sst s0  }
0x9: {  	[smem:$0x3FA3] =	sst s1  }
0xa: {  	[smem:$0x3FA4] =	sst s2  }
0xb: {  	[smem:$0x3FA5] =	sst s3  }
0xc: {  	[smem:$0x3FA6] =	sst s4  }
0xd: {  	[smem:$0x3FA7] =	sst s5  }
0xe: {  	[smem:$0x3FA8] =	sst s6  }
0xf: {  	[smem:$0x3FA9] =	sst s7  }
0x10: {  	[smem:$0x3FAA] =	sst s8  }
0x11: {  	[smem:$0x3FAB] =	sst s9;
	s0 =	simm.s32 @!p0 $0x0  }
0x12: {  	s1 =	sld [smem:$0x3F91];
	s0 =	simm.s32 @p0 $0x1  }
0x13: {  	[smem:$0x3FAC] =	sst s0;
	s0 =	simm.s32 @!p1 $0x0  }
0x14: {  	s2 =	sld [smem:$0x3F90];
	s0 =	simm.s32 @p1 $0x1  }
0x15: {  	[smem:$0x3FAD] =	sst s0;
	s0 =	simm.s32 @!p2 $0x0  }
0x16: {  	s3 =	sld [smem:$0x3FDB];
	s0 =	simm.s32 @p2 $0x1  }
0x17: {  	s4 =	simm.s32 $0x1BF5;
	[smem:$0x3FAF] =	sst s0  }
0x18: {  	s0 =	sld [smem:$0x3F92];
	_ =	swait.ge [sflag:s4], $0x0  }
0x19: {  	s7 =	sld [smem:$0x3F93]  }
0x1a: {  	s8 =	sadd.s32 $0xFFFFE003, lr  }
0x1b: {  	s9 =	sadd.s32 $0xFFFFFEF7, lr;
	s5 =	simm.s32 $0xFFFFFFFF;
	p2 =	slt.u32 s8, $0xFFFFF086  }
0x1c: {  	p1 =	slt.u32 s9, $0xF7A;
	s5 =	simm.s32 @!p2 $0x0  }
0x1d: {  	s5 =	simm.s32 @p1 $0x1;
	p0 =	seq.s32 s7, s2  }
0x1e: {  	s7 =	smul.u32 @!p0 $0xF7A, s2;
	p2 =	seq.s32 @!p0 s5, $0x0  }
0x1f: {  	s9 =	smul.u32 $0xF7A, s1;
	s8 =	simm.s32 @!p0 $0x1BF5;
	p2 =	por !p2, p0  }
0x20: {  	[sflag:s8] =	ssyncset.s32 @!p0 $0xFFFFF086;
	s6 =	sadd.s32 @!p0 s3, s7;
	s7 =	simm.s32 @!p0 $0x108  }
0x21: {  	s3 =	sadd.s32 s3, s9;
	s6 =	sadd.s32 @!p0 $0x88, s6;
	s7 =	simm.s32 @p2 $0x1082  }
0x22: {  	[simem:s7], [sflag:s8] =	dma.local @!p0 [hbm:s6], $0xF7A  }
0x23: {  	s9 =	sor.u32 $0xD0000000, s2;
	s6 =	simm.s32 $0x108;
	_ =	swait.ge @!p0 [sflag:s8], $0x0  }
0x24: {  	s3 =	sadd.s32 $0x88, s3;
	s6 =	simm.s32 @!p1 $0x1082;
	[sflag:s4] =	ssyncset.s32 $0xFFFFF086  }
0x25: {  	[simem:s6], [sflag:s4] =	dma.local [hbm:s3], $0xF7A  }
0x26: {  	[smem:$0x3F93] =	sst s1;
	(tag) =	ssettag s2;
	_ =	strace s9  }
0x27: {  	s1 =	sld [smem:$0x3FA3]  }
0x28: {  	s2 =	sld [smem:$0x3FA4]  }
0x29: {  	s4 =	sld [smem:$0x3FA6]  }
0x2a: {  	p0 =	seq.s32 s5, $0x0;
	s5 =	sld [smem:$0x3FA7]  }
0x2b: {  	s6 =	sld [smem:$0x3FA8]  }
0x2c: {  	s7 =	sld [smem:$0x3FA9]  }
0x2d: {  	s3 =	simm.s32 $0x108;
	s8 =	sld [smem:$0x3FAA]  }
0x2e: {  	s3 =	simm.s32 @!p0 $0x1082;
	s9 =	sld [smem:$0x3FAB]  }
0x2f: {  	lr =	sadd.s32 s0, s3;
	s0 =	sld [smem:$0x3FA2]  }
0x30: {  	s3 =	sld [smem:$0x3FA5]  }
0x31: {  	[smem:$0x3FAE] =	sst s10  }
0x32: {  	s10 =	sld [smem:$0x3FAC];
	_ =	sdelay $0x3  }
0x33: {  	p0 =	seq.s32 s10, $0x1;
	s10 =	sld [smem:$0x3FAE];
	_ =	sdelay $0x3  }
0x34: {  	[smem:$0x3FAE] =	sst s10  }
0x35: {  	s10 =	sld [smem:$0x3FAD];
	_ =	sdelay $0x3  }
0x36: {  	p1 =	seq.s32 s10, $0x1;
	s10 =	sld [smem:$0x3FAE];
	_ =	sdelay $0x3  }
0x37: {  	[smem:$0x3FAE] =	sst s10  }
0x38: {  	s10 =	sld [smem:$0x3FAF]  }
0x39: {  	_ = 	snop;
	(pc) =	sbr.ind lr, $3  }
0x3a: {  	_ = 	snop  }
0x3b: {  	_ = 	snop  }
0x3c: {  	p2 =	seq.s32 s10, $0x1;
	s10 =	sld [smem:$0x3FAE]  }
0x3d: {  	_ =	shalt  }
0x3e: {  	_ =	shalt  }
0x3f: {  	_ =	shalt  }
0x40: {  	_ =	shalt  }
0x41: {  	_ =	shalt  }
0x42: {  	_ =	shalt  }
0x43: {  	_ =	shalt  }
0x44: {  	_ =	shalt  }
0x45: {  	_ =	shalt  }
0x46: {  	_ =	shalt  }
0x47: {  	_ =	shalt  }
0x48: {  	_ =	shalt  }
0x49: {  	_ =	shalt  }
0x4a: {  	_ =	shalt  }
0x4b: {  	_ =	shalt  }
0x4c: {  	_ =	shalt  }
0x4d: {  	_ =	shalt  }
0x4e: {  	_ =	shalt  }
0x4f: {  	_ =	shalt  }
0x50: {  	_ =	shalt  }
0x51: {  	_ =	shalt  }
0x52: {  	_ =	shalt  }
0x53: {  	_ =	shalt  }
0x54: {  	_ =	shalt  }
0x55: {  	_ =	shalt  }
0x56: {  	_ =	shalt  }
0x57: {  	_ =	shalt  }
0x58: {  	_ =	shalt  }
0x59: {  	_ =	shalt  }
0x5a: {  	_ =	shalt  }
0x5b: {  	_ =	shalt  }
0x5c: {  	_ =	shalt  }
0x5d: {  	_ =	shalt  }
0x5e: {  	_ =	shalt  }
0x5f: {  	_ =	shalt  }
0x60: {  	_ =	shalt  }
0x61: {  	_ =	shalt  }
0x62: {  	_ =	shalt  }
0x63: {  	_ =	shalt  }
0x64: {  	_ =	shalt  }
0x65: {  	_ =	shalt  }
0x66: {  	_ =	shalt  }
0x67: {  	_ =	shalt  }
0x68: {  	_ =	shalt  }
0x69: {  	_ =	shalt  }
0x6a: {  	_ =	shalt  }
0x6b: {  	_ =	shalt  }
0x6c: {  	_ =	shalt  }
0x6d: {  	_ =	shalt  }
0x6e: {  	_ =	shalt  }
0x6f: {  	_ =	shalt  }
0x70: {  	_ =	shalt  }
0x71: {  	_ =	shalt  }
0x72: {  	_ =	shalt  }
0x73: {  	_ =	shalt  }
0x74: {  	_ =	shalt  }
0x75: {  	_ =	shalt  }
0x76: {  	_ =	shalt  }
0x77: {  	_ =	shalt  }
0x78: {  	_ =	shalt  }
0x79: {  	_ =	shalt  }
0x7a: {  	_ =	shalt  }
0x7b: {  	_ =	shalt  }
0x7c: {  	_ =	shalt  }
0x7d: {  	_ =	shalt  }
0x7e: {  	_ =	shalt  }
0x7f: {  	_ =	shalt  }
0x80: {  	_ =	shalt  }
0x81: {  	_ =	shalt  }
0x82: {  	_ =	shalt  }
0x83: {  	_ =	shalt  }
0x84: {  	_ =	shalt  }
0x85: {  	_ =	shalt  }
0x86: {  	_ =	shalt  }
0x87: {  	_ =	shalt  }
.Lfunc_end0:
.L_simem_size_0:
called_computation.1_lowered:
.L_overlay_start_0:
0x88: {  	s2 =	sld [smem:$0x3FD9]  }
0x89: {  	s3 =	sld [smem:$0x3FFE];
	_ =	sdelay $0x1  }
0x8a: {  	s1 =	srdreg.scid  }
0x8b: {  	s0 =	sand.u32 $0x1, s1  }
0x8c: {  	s17 =	sshll.u32 s0, $0xA;
	s2 =	sadd.s32 s3, s2  }
0x8d: {  	s2 =	sadd.s32 s2, s17  }
0x8e: {  	[smem:$0x3FBA] =	sst s2  }
0x8f: {  	_ = 	snop  }
0x90: {  	s2 =	sld [smem:$0x3FD0];
	(tm) =	ssettm $0x1  }
0x91: {  	s18 =	sld [smem:$0x3FFB];
	_ =	sdelay $0x3  }
0x92: {  	_ =	strace s18  }
0x93: {  	s3 =	sld [smem:$0x3FFC];
	_ =	sdelay $0x3  }
0x94: {  	_ =	strace s3  }
0x95: {  	s3 =	sld [smem:$0x3FFD];
	_ =	sdelay $0x3  }
0x96: {  	_ =	strace s3  }
0x97: {  	_ =	strace $0x8FFFFFFF  }
0x98: {  	s19 =	sld [smem:$0x3FDB];
	_ =	sdelay $0x1  }
0x99: {  	s4 =	simm.s32 $_scs_section_size  }
0x9a: {  	s5 =	simm.s32 $_size__tile_overlayer_lowered;
	s6 =	simm.s32 $_tile_overlayer_lowered  }
0x9b: {  	s22 =	simm.s32 $0x1BFF;
	s21 =	sshll.u32 s6, $0x1;
	s3 =	sadd.s32 s4, s19  }
0x9c: {  	s7 =	simm.s32 $0x0;
	s20 =	sshll.u32 s5, $0x1;
	s5 =	sadd.s32 s21, s3  }
0x9d: {  	[timem:s7], [sflag:s22] =	dma.local [hbm:s5], s20  }
0x9e: {  	_ =	swait.ge [sflag:s22], s20  }
0x9f: {  	s4 =	ssub.s32 $0x0, s20;
	[sflag:s22] =	ssyncset.done $0x0  }
0xa0: {  	[sflag:s22] =	ssyncadd.s32 s4;
	_ =	sdelay $0x1  }
0xa1: {  	s23 =	simm.s32 $0x1B8B  }
0xa2: {  	_ =	swait.ge [sflag:s23], $0x1  }
0xa3: {  	[sflag:s23] =	ssyncset.done $0x0  }
0xa4: {  	s25 =	simm.s32 $0x1B8E;
	s24 =	sld [smem:$0x3FFE];
	[sflag:s23] =	ssyncadd.s32 $0xFFFFFFFF  }
0xa5: {  	s26 =	simm.s32 $execute0_lowered;
	[smem:$0x3FD2] =	sst s25  }
0xa6: {  	s5 =	sshll.u32 s26, $0x1;
	_ =	strace $0x80000046;
	[dreg:$0x1] =	wrdreg $0xFFFFFFFF  }
0xa7: {  	s28 =	simm.s32 $_size_execute0_lowered;
	s3 =	sadd.s32 s3, s5;
	[dreg:$0x0] =	wrdreg $0x0  }
0xa8: {  	s5 =	sshll.u32 s28, $0x1;
	[dreg:$0x2] =	wrdreg s3  }
0xa9: {  	[dreg:$0x3] =	wrdreg s5  }
0xaa: {  	[dreg:$0x4] =	wrdreg $0xC0  }
0xab: {  	_ =	task [dreg:s7], $0x5FFFF  }
0xac: {  	[dreg:$0x1] =	wrdreg $0xFFFFFFFF  }
0xad: {  	[dreg:$0x0] =	wrdreg $0x60  }
0xae: {  	[dreg:$0x2] =	wrdreg s24  }
0xaf: {  	[dreg:$0x3] =	wrdreg s2  }
0xb0: {  	[dreg:$0x4] =	wrdreg $0x90000  }
0xb1: {  	[dreg:$0x5] =	wrdreg $0xA  }
0xb2: {  	_ =	task.clear_ibuf [dreg:s7], $0x6FFFF;
	_ =	strace $0x90000046  }
0xb3: {  	s29 =	simm.s32 $0xA;
	_ =	strace $0x80000048  }
0xb4: {  	_ =	swait.ge [sflag:s29], $0x1  }
0xb5: {  	[sflag:s29] =	ssyncadd.s32 $0xFFFFFFFF  }
0xb6: {  	_ =	strace $0x90000048  }
0xb7: {  	_ =	sfence  }
0xb8: {  	s30 =	sld [smem:$0x0];
	_ =	sdelay $0x2  }
0xb9: {  	s31 =	sshll.u32 s1, $0xD;
	s1 =	sshrl.u32 s1, $0x2  }
0xba: {  	s3 =	sand.u32 $0x4000, s31;
	s1 =	sadd.s32 s1, s30  }
0xbb: {  	s0 =	sor.u32 s3, s0;
	s1 =	sshll.u32 s1, $0x11  }
0xbc: {  	s0 =	sor.u32 s1, s0  }
0xbd: {  	s0 =	sadd.s32 $0x8F2B, s0  }
0xbe: {  	[sflag:s0] =	ssyncadd.remote.s32 $0x1  }
0xbf: {  	_ =	sfence.sel $0xFFFF  }
0xc0: {  	[dreg:$0x0] =	wrdreg $0xFFFFFFFF;
	(pc) =	sbr.abs _section_cstart, $3  }
0xc1: {  	[dreg:$0x1] =	wrdreg $0xFFFFFFFF  }
0xc2: {  	_ =	task.clear_ibuf [dreg:s7], $0x2FFFF;
	_ =	strace $0x9FFFFFFF  }
0xc3: {  	(tm) =	ssettm $0x7FFFFFFF  }
tec
execute0_lowered:
.L_overlay_start_1:
0x0: {  	(tag) =	ssettag $0x1  }
0x1: {  	s5 =	rddreg [dreg:$0x0]  }
0x2: {  	s0 =	srdreg.scid;
	s7 =	rddreg [dreg:$0x1]  }
0x3: {  	s2 =	rddreg [dreg:$0x2];
	s3 =	simm.s32 $0x0;
	s15 =	simm.s32 $0x5000  }
0x4: {  	s16 =	simm.s32 $0x1;
	s6 =	sand.u32 $0x1, s0;
	s0 =	stileid.u32  }
0x5: {  	s17 =	simm.s32 $0x0;
	[smem:$0x7FF] =	sst s3;
	s9 =	smul.u32 $0x14000, s0  }
0x6: {  	s1 =	sshll.u32 s6, $0x4;
	s10 =	smul.u32 $0x140000, s6;
	s6 =	ssub.s32 $0x2, s6  }
0x7: {  	s29 =	smul.u32 $0x50000, s0;
	s31 =	sshll.u32 s0, $0x6;
	s4 =	sor.u32 s0, s1  }
0x8: {  	s1 =	rddreg [dreg:$0x3];
	_ =	strace $0x80000047;
	s13 =	sshrl.u32 s6, $0x1  }
0x9: {  	s8 =	smul.u32 $0x500, s4;
	s4 =	sadd.s32 $0xE400, s5;
	s12 =	sshrl.u32 s9, $0x3  }
0xa: {  	s9 =	sadd.s32 s9, s10;
	s13 =	ssub.s32 s6, s13;
	s30 =	sshrl.u32 s29, $0x2  }
0xb: {  	s6 =	sor.u32 $0x1C02, s31;
	s12 =	sadd.s32 s12, s5;
	s9 =	sshrl.u32 s9, $0x3  }
0xc: {  	s14 =	sadd.s32 s30, s2;
	s10 =	smax.u32 s13, $0x1;
	s13 =	simm.s32 $0x2800  }
0xd: {  	s11 =	sadd.s32 s8, s5;
	s9 =	sadd.s32 s9, s5;
	s5 =	sadd.s32 $0x36400, s12  }
0xe: {  	s7 =	sadd.s32 s7, s8;
	s12 =	simm.s32 $0x2;
	s8 =	sadd.s32 $0x4400, s11  }
0xf: {  	s9 =	sadd.s32 $0x5E400, s9;
	s11 =	sshrl.u32 s14, $0x3;
	s14 =	simm.s32 $0x80  }
.LBB2_1:
0x10: {  	[spmem:s11], [sflag:s6] =	dma.local [hbm:s5], $0x2800  }
0x11: {  	_ =	swait.ge [sflag:s12], $0x2800  }
0x12: {  	[sflag:s12] =	ssyncset.done $0x0  }
0x13: {  	[sflag:s12] =	ssyncadd.s32 $0xFFFFD800  }
0x14: {  	[tilespmem:s3], [sflag:$0x2] =	stream.linear.gather [hbm4b:s7+s3], $0x2780, $0x38;
	[tilespmem:$0x1D000] =	vst v63  }
0x15: {  	_ =	swait.ge [sflag:s12], $0x2780  }
0x16: {  	[sflag:s12] =	ssyncset.done $0x0  }
0x17: {  	[sflag:s12] =	ssyncadd.s32 $0xFFFFD880  }
0x18: {  	[tilespmem:s13], [sflag:$0x2] =	stream.linear.gather [hbm4b:s8+s3], $0x2780, $0x38;
	[tilespmem:$0x1D000] =	vst v63  }
0x19: {  	_ =	swait.ge [sflag:s12], $0x2780  }
0x1a: {  	[sflag:s12] =	ssyncset.done $0x0  }
0x1b: {  	[sflag:s12] =	ssyncadd.s32 $0xFFFFD880  }
0x1c: {  	s18 =	simm.s32 $0x0;
	[bflag:$0x0] =	sbarrier.arrive $0xFFFF  }
0x1d: {  	[tilespmem:s15], [sflag:$0x1] =	stream.indirect.gather [hbm4b:s4+s14], $0x80, s18, s14, $0xb8;
	[tilespmem:$0x1D000] =	vst v63  }
0x1e: {  	_ =	swait.ge [sflag:s16], $0x4000  }
0x1f: {  	[sflag:s16] =	ssyncset.done $0x0  }
0x20: {  	s31 =	simm.s32 $0x2800;
	[sflag:s16] =	ssyncadd.s32 $0xFFFFC000  }
0x21: {  	[spmem:s2] =	stream.indirect.scatter.add.f32 [tilespmem:s15], [sflag:$0x2], $0x80, s31, s14, $0xb8;
	[tilespmem:$0x1D000] =	vst v63  }
0x22: {  	_ =	swait.ge [sflag:s12], $0x4000  }
0x23: {  	s19 =	simm.s32 $0x400;
	s18 =	simm.s32 $0x200;
	[sflag:s12] =	ssyncset.done $0x0  }
.LBB2_2:
0x24: {  	s20 =	sshra.s32 s18, $0x2  }
0x25: {  	[sflag:s12] =	ssyncadd.s32 $0xFFFFC000;
	s18 =	smov.u32 s19;
	s21 =	sadd.s32 $0x200, s19  }
0x26: {  	[tilespmem:s15], [sflag:$0x1] =	stream.indirect.gather [hbm4b:s4+s14], $0x80, s20, s14, $0xb8;
	[tilespmem:$0x1D000] =	vst v63  }
0x27: {  	p0 =	sne.s32 s19, $0x9C00;
	_ =	swait.ge [sflag:s16], $0x4000  }
.Ltmp0:
0x28: {  	[sflag:s16] =	ssyncset.done $0x0;
	(pc) =	sbr.rel @p0 .LBB2_2-.Ltmp0, $4  }
0x29: {  	s19 =	sadd.s32 $0x2800, s20;
	[sflag:s16] =	ssyncadd.s32 $0xFFFFC000  }
0x2a: {  	[spmem:s2] =	stream.indirect.scatter.add.f32 [tilespmem:s15], [sflag:$0x2], $0x80, s19, s14, $0xb8;
	[tilespmem:$0x1D000] =	vst v63  }
0x2b: {  	_ =	swait.ge [sflag:s12], $0x4000  }
0x2c: {  	s19 =	smov.u32 s21;
	[sflag:s12] =	ssyncset.done $0x0  }
0x2d: {  	s18 =	sshra.s32 s18, $0x2;
	[sflag:s12] =	ssyncadd.s32 $0xFFFFC000  }
0x2e: {  	[tilespmem:s15], [sflag:$0x1] =	stream.indirect.gather [hbm4b:s4+s14], $0x80, s18, s14, $0xb8;
	[tilespmem:$0x1D000] =	vst v63  }
0x2f: {  	_ =	swait.ge [sflag:s16], $0x4000  }
0x30: {  	[sflag:s16] =	ssyncset.done $0x0  }
0x31: {  	s18 =	sadd.s32 $0x2800, s18;
	[sflag:s16] =	ssyncadd.s32 $0xFFFFC000  }
0x32: {  	[spmem:s2] =	stream.indirect.scatter.add.f32 [tilespmem:s15], [sflag:$0x2], $0x80, s18, s14, $0xb8;
	[tilespmem:$0x1D000] =	vst v63  }
0x33: {  	_ =	swait.ge [sflag:s12], $0x4000  }
0x34: {  	s17 =	sadd.s32 $0x1, s17;
	[sflag:s12] =	ssyncset.done $0x0  }
0x35: {  	p0 =	sne.s32 s17, s10;
	[sflag:s12] =	ssyncadd.s32 $0xFFFFC000  }
.Ltmp1:
0x36: {  	[bflag:$0x0] =	sbarrier.arrive $0xFFFF;
	(pc) =	sbr.rel @p0 .LBB2_1-.Ltmp1, $4  }
0x37: {  	[hbm:s9], [sflag:s6] =	dma.local [spmem:s11], $0x2800  }
0x38: {  	_ =	swait.ge [sflag:s12], $0x2800  }
0x39: {  	[sflag:s12] =	ssyncset.done $0x0  }
0x3a: {  	[sflag:s12] =	ssyncadd.s32 $0xFFFFD800  }
0x3b: {  	_ =	sfence.sel $0x180000  }
0x3c: {  	[bflag:$0x0] =	sbarrier.arrive $0xFFFF  }
0x3d: {  	p0 =	sne.s32 s0, $0x0;
	_ =	strace $0x90000047  }
0x3e: {  	s0 =	sadd.s32 @!p0 $0x100000, s1;
	[bflag:$0x2] =	sbarrier.arrive $0xFFFF  }
0x3f: {  	[sflag:s0] =	ssyncadd.tile.s32 @!p0 $0x1;
	_ =	shalt  }
.Lfunc_end2:
_tile_overlayer_lowered:
.L_overlay_start_2:
0x40: {  	(tag) =	ssettag $0x2  }
0x41: {  	s0 =	rddreg [dreg:$0x0];
	s2 =	stileid.u32  }
0x42: {  	s1 =	rddreg [dreg:$0x1];
	p0 =	sne.s32 s2, $0x0  }
0x43: {  	s3 =	rddreg [dreg:$0x2];
	[bflag:$0x3] =	sbarrier.arrive $0xFFFF;
	s2 =	simm.s32 @!p0 $0x1C02  }
0x44: {  	[timem:s3], [sflag:s2] =	dma.local @!p0 [hbm:s0], s1  }
0x45: {  	s0 =	simm.s32 @!p0 $0x2  }
0x46: {  	_ =	swait.ge @!p0 [sflag:s0], s1  }
0x47: {  	s1 =	ssub.s32 @!p0 $0x0, s1;
	[sflag:s0] =	ssyncset.done @!p0 $0x0  }
0x48: {  	[sflag:s0] =	ssyncadd.s32 @!p0 s1  }
0x49: {  	[bflag:$0x3] =	sbarrier.arrive $0xFFFF  }
0x4a: {  	_ =	shalt  }

// kernel: kernel.17.cloned.1.call-start
scs
__scs_entry_jumppad:
0x0: {  	(pc) =	sbr.rel $0x88, $3  }
0x1: {  	(tag) =	ssettag $0x0;
	lr =	simm.s32 $0x1  }
0x2: {  	[smem:$0x3F93] =	sst lr;
	_ =	strace $0xD0000000  }
0x3: {  	_ = 	snop  }
0x4: {  	_ = 	snop  }
0x5: {  	_ = 	snop  }
0x6: {  	_ = 	snop  }
0x7: {  	_ = 	snop  }
__scs_overlays_trampoline_lowered:
0x8: {  	[smem:$0x3FA2] =	sst s0  }
0x9: {  	[smem:$0x3FA3] =	sst s1  }
0xa: {  	[smem:$0x3FA4] =	sst s2  }
0xb: {  	[smem:$0x3FA5] =	sst s3  }
0xc: {  	[smem:$0x3FA6] =	sst s4  }
0xd: {  	[smem:$0x3FA7] =	sst s5  }
0xe: {  	[smem:$0x3FA8] =	sst s6  }
0xf: {  	[smem:$0x3FA9] =	sst s7  }
0x10: {  	[smem:$0x3FAA] =	sst s8  }
0x11: {  	[smem:$0x3FAB] =	sst s9;
	s0 =	simm.s32 @!p0 $0x0  }
0x12: {  	s1 =	sld [smem:$0x3F91];
	s0 =	simm.s32 @p0 $0x1  }
0x13: {  	[smem:$0x3FAC] =	sst s0;
	s0 =	simm.s32 @!p1 $0x0  }
0x14: {  	s2 =	sld [smem:$0x3F90];
	s0 =	simm.s32 @p1 $0x1  }
0x15: {  	[smem:$0x3FAD] =	sst s0;
	s0 =	simm.s32 @!p2 $0x0  }
0x16: {  	s3 =	sld [smem:$0x3FDB];
	s0 =	simm.s32 @p2 $0x1  }
0x17: {  	s4 =	simm.s32 $0x1BF5;
	[smem:$0x3FAF] =	sst s0  }
0x18: {  	s0 =	sld [smem:$0x3F92];
	_ =	swait.ge [sflag:s4], $0x0  }
0x19: {  	s7 =	sld [smem:$0x3F93]  }
0x1a: {  	s8 =	sadd.s32 $0xFFFFE003, lr  }
0x1b: {  	s9 =	sadd.s32 $0xFFFFFEF7, lr;
	s5 =	simm.s32 $0xFFFFFFFF;
	p2 =	slt.u32 s8, $0xFFFFF086  }
0x1c: {  	p1 =	slt.u32 s9, $0xF7A;
	s5 =	simm.s32 @!p2 $0x0  }
0x1d: {  	s5 =	simm.s32 @p1 $0x1;
	p0 =	seq.s32 s7, s2  }
0x1e: {  	s7 =	smul.u32 @!p0 $0xF7A, s2;
	p2 =	seq.s32 @!p0 s5, $0x0  }
0x1f: {  	s9 =	smul.u32 $0xF7A, s1;
	s8 =	simm.s32 @!p0 $0x1BF5;
	p2 =	por !p2, p0  }
0x20: {  	[sflag:s8] =	ssyncset.s32 @!p0 $0xFFFFF086;
	s6 =	sadd.s32 @!p0 s3, s7;
	s7 =	simm.s32 @!p0 $0x108  }
0x21: {  	s3 =	sadd.s32 s3, s9;
	s6 =	sadd.s32 @!p0 $0x88, s6;
	s7 =	simm.s32 @p2 $0x1082  }
0x22: {  	[simem:s7], [sflag:s8] =	dma.local @!p0 [hbm:s6], $0xF7A  }
0x23: {  	s9 =	sor.u32 $0xD0000000, s2;
	s6 =	simm.s32 $0x108;
	_ =	swait.ge @!p0 [sflag:s8], $0x0  }
0x24: {  	s3 =	sadd.s32 $0x88, s3;
	s6 =	simm.s32 @!p1 $0x1082;
	[sflag:s4] =	ssyncset.s32 $0xFFFFF086  }
0x25: {  	[simem:s6], [sflag:s4] =	dma.local [hbm:s3], $0xF7A  }
0x26: {  	[smem:$0x3F93] =	sst s1;
	(tag) =	ssettag s2;
	_ =	strace s9  }
0x27: {  	s1 =	sld [smem:$0x3FA3]  }
0x28: {  	s2 =	sld [smem:$0x3FA4]  }
0x29: {  	s4 =	sld [smem:$0x3FA6]  }
0x2a: {  	p0 =	seq.s32 s5, $0x0;
	s5 =	sld [smem:$0x3FA7]  }
0x2b: {  	s6 =	sld [smem:$0x3FA8]  }
0x2c: {  	s7 =	sld [smem:$0x3FA9]  }
0x2d: {  	s3 =	simm.s32 $0x108;
	s8 =	sld [smem:$0x3FAA]  }
0x2e: {  	s3 =	simm.s32 @!p0 $0x1082;
	s9 =	sld [smem:$0x3FAB]  }
0x2f: {  	lr =	sadd.s32 s0, s3;
	s0 =	sld [smem:$0x3FA2]  }
0x30: {  	s3 =	sld [smem:$0x3FA5]  }
0x31: {  	[smem:$0x3FAE] =	sst s10  }
0x32: {  	s10 =	sld [smem:$0x3FAC];
	_ =	sdelay $0x3  }
0x33: {  	p0 =	seq.s32 s10, $0x1;
	s10 =	sld [smem:$0x3FAE];
	_ =	sdelay $0x3  }
0x34: {  	[smem:$0x3FAE] =	sst s10  }
0x35: {  	s10 =	sld [smem:$0x3FAD];
	_ =	sdelay $0x3  }
0x36: {  	p1 =	seq.s32 s10, $0x1;
	s10 =	sld [smem:$0x3FAE];
	_ =	sdelay $0x3  }
0x37: {  	[smem:$0x3FAE] =	sst s10  }
0x38: {  	s10 =	sld [smem:$0x3FAF]  }
0x39: {  	_ = 	snop;
	(pc) =	sbr.ind lr, $3  }
0x3a: {  	_ = 	snop  }
0x3b: {  	_ = 	snop  }
0x3c: {  	p2 =	seq.s32 s10, $0x1;
	s10 =	sld [smem:$0x3FAE]  }
0x3d: {  	_ =	shalt  }
0x3e: {  	_ =	shalt  }
0x3f: {  	_ =	shalt  }
0x40: {  	_ =	shalt  }
0x41: {  	_ =	shalt  }
0x42: {  	_ =	shalt  }
0x43: {  	_ =	shalt  }
0x44: {  	_ =	shalt  }
0x45: {  	_ =	shalt  }
0x46: {  	_ =	shalt  }
0x47: {  	_ =	shalt  }
0x48: {  	_ =	shalt  }
0x49: {  	_ =	shalt  }
0x4a: {  	_ =	shalt  }
0x4b: {  	_ =	shalt  }
0x4c: {  	_ =	shalt  }
0x4d: {  	_ =	shalt  }
0x4e: {  	_ =	shalt  }
0x4f: {  	_ =	shalt  }
0x50: {  	_ =	shalt  }
0x51: {  	_ =	shalt  }
0x52: {  	_ =	shalt  }
0x53: {  	_ =	shalt  }
0x54: {  	_ =	shalt  }
0x55: {  	_ =	shalt  }
0x56: {  	_ =	shalt  }
0x57: {  	_ =	shalt  }
0x58: {  	_ =	shalt  }
0x59: {  	_ =	shalt  }
0x5a: {  	_ =	shalt  }
0x5b: {  	_ =	shalt  }
0x5c: {  	_ =	shalt  }
0x5d: {  	_ =	shalt  }
0x5e: {  	_ =	shalt  }
0x5f: {  	_ =	shalt  }
0x60: {  	_ =	shalt  }
0x61: {  	_ =	shalt  }
0x62: {  	_ =	shalt  }
0x63: {  	_ =	shalt  }
0x64: {  	_ =	shalt  }
0x65: {  	_ =	shalt  }
0x66: {  	_ =	shalt  }
0x67: {  	_ =	shalt  }
0x68: {  	_ =	shalt  }
0x69: {  	_ =	shalt  }
0x6a: {  	_ =	shalt  }
0x6b: {  	_ =	shalt  }
0x6c: {  	_ =	shalt  }
0x6d: {  	_ =	shalt  }
0x6e: {  	_ =	shalt  }
0x6f: {  	_ =	shalt  }
0x70: {  	_ =	shalt  }
0x71: {  	_ =	shalt  }
0x72: {  	_ =	shalt  }
0x73: {  	_ =	shalt  }
0x74: {  	_ =	shalt  }
0x75: {  	_ =	shalt  }
0x76: {  	_ =	shalt  }
0x77: {  	_ =	shalt  }
0x78: {  	_ =	shalt  }
0x79: {  	_ =	shalt  }
0x7a: {  	_ =	shalt  }
0x7b: {  	_ =	shalt  }
0x7c: {  	_ =	shalt  }
0x7d: {  	_ =	shalt  }
0x7e: {  	_ =	shalt  }
0x7f: {  	_ =	shalt  }
0x80: {  	_ =	shalt  }
0x81: {  	_ =	shalt  }
0x82: {  	_ =	shalt  }
0x83: {  	_ =	shalt  }
0x84: {  	_ =	shalt  }
0x85: {  	_ =	shalt  }
0x86: {  	_ =	shalt  }
0x87: {  	_ =	shalt  }
.Lfunc_end0:
.L_simem_size_0:
called_computation.2_lowered:
.L_overlay_start_0:
0x88: {  	s2 =	sld [smem:$0x3FD9]  }
0x89: {  	s3 =	sld [smem:$0x3FFE];
	_ =	sdelay $0x1  }
0x8a: {  	s1 =	srdreg.scid  }
0x8b: {  	s0 =	sand.u32 $0x1, s1  }
0x8c: {  	s17 =	sshll.u32 s0, $0xA;
	s2 =	sadd.s32 s3, s2  }
0x8d: {  	s2 =	sadd.s32 s2, s17  }
0x8e: {  	[smem:$0x3FBA] =	sst s2  }
0x8f: {  	_ = 	snop  }
0x90: {  	s2 =	sld [smem:$0x3FD0];
	(tm) =	ssettm $0x1  }
0x91: {  	s18 =	sld [smem:$0x3FFB];
	_ =	sdelay $0x3  }
0x92: {  	_ =	strace s18  }
0x93: {  	s3 =	sld [smem:$0x3FFC];
	_ =	sdelay $0x3  }
0x94: {  	_ =	strace s3  }
0x95: {  	s3 =	sld [smem:$0x3FFD];
	_ =	sdelay $0x3  }
0x96: {  	_ =	strace s3  }
0x97: {  	_ =	strace $0x8FFFFFFF  }
0x98: {  	s19 =	sld [smem:$0x3FDB];
	_ =	sdelay $0x1  }
0x99: {  	s4 =	simm.s32 $_scs_section_size  }
0x9a: {  	s5 =	simm.s32 $_size__tile_overlayer_lowered;
	s6 =	simm.s32 $_tile_overlayer_lowered  }
0x9b: {  	s22 =	simm.s32 $0x1BFF;
	s21 =	sshll.u32 s6, $0x1;
	s3 =	sadd.s32 s4, s19  }
0x9c: {  	s7 =	simm.s32 $0x0;
	s20 =	sshll.u32 s5, $0x1;
	s5 =	sadd.s32 s21, s3  }
0x9d: {  	[timem:s7], [sflag:s22] =	dma.local [hbm:s5], s20  }
0x9e: {  	_ =	swait.ge [sflag:s22], s20  }
0x9f: {  	s4 =	ssub.s32 $0x0, s20;
	[sflag:s22] =	ssyncset.done $0x0  }
0xa0: {  	[sflag:s22] =	ssyncadd.s32 s4;
	_ =	sdelay $0x1  }
0xa1: {  	s23 =	simm.s32 $0x1B8B  }
0xa2: {  	_ =	swait.ge [sflag:s23], $0x1  }
0xa3: {  	[sflag:s23] =	ssyncset.done $0x0  }
0xa4: {  	s25 =	simm.s32 $0x1B8E;
	s24 =	sld [smem:$0x3FFE];
	[sflag:s23] =	ssyncadd.s32 $0xFFFFFFFF  }
0xa5: {  	s26 =	simm.s32 $execute0_lowered;
	[smem:$0x3FD2] =	sst s25  }
0xa6: {  	s5 =	sshll.u32 s26, $0x1;
	_ =	strace $0x8000004C;
	[dreg:$0x1] =	wrdreg $0xFFFFFFFF  }
0xa7: {  	s28 =	simm.s32 $_size_execute0_lowered;
	s3 =	sadd.s32 s3, s5;
	[dreg:$0x0] =	wrdreg $0x0  }
0xa8: {  	s5 =	sshll.u32 s28, $0x1;
	[dreg:$0x2] =	wrdreg s3  }
0xa9: {  	[dreg:$0x3] =	wrdreg s5  }
0xaa: {  	[dreg:$0x4] =	wrdreg $0xC0  }
0xab: {  	_ =	task [dreg:s7], $0x5FFFF  }
0xac: {  	[dreg:$0x1] =	wrdreg $0xFFFFFFFF  }
0xad: {  	[dreg:$0x0] =	wrdreg $0x60  }
0xae: {  	[dreg:$0x2] =	wrdreg s24  }
0xaf: {  	[dreg:$0x3] =	wrdreg s2  }
0xb0: {  	[dreg:$0x4] =	wrdreg $0x90000  }
0xb1: {  	[dreg:$0x5] =	wrdreg $0x9  }
0xb2: {  	_ =	task.clear_ibuf [dreg:s7], $0x6FFFF;
	_ =	strace $0x9000004C  }
0xb3: {  	s29 =	simm.s32 $0x9;
	_ =	strace $0x8000004E  }
0xb4: {  	_ =	swait.ge [sflag:s29], $0x1  }
0xb5: {  	[sflag:s29] =	ssyncadd.s32 $0xFFFFFFFF  }
0xb6: {  	_ =	strace $0x9000004E  }
0xb7: {  	_ =	sfence  }
0xb8: {  	s30 =	sld [smem:$0x0];
	_ =	sdelay $0x2  }
0xb9: {  	s31 =	sshll.u32 s1, $0xD;
	s1 =	sshrl.u32 s1, $0x2  }
0xba: {  	s3 =	sand.u32 $0x4000, s31;
	s1 =	sadd.s32 s1, s30  }
0xbb: {  	s0 =	sor.u32 s3, s0;
	s1 =	sshll.u32 s1, $0x11  }
0xbc: {  	s0 =	sor.u32 s1, s0  }
0xbd: {  	s0 =	sadd.s32 $0x8F2B, s0  }
0xbe: {  	[sflag:s0] =	ssyncadd.remote.s32 $0x1  }
0xbf: {  	_ =	sfence.sel $0xFFFF  }
0xc0: {  	[dreg:$0x0] =	wrdreg $0xFFFFFFFF;
	(pc) =	sbr.abs _section_cstart, $3  }
0xc1: {  	[dreg:$0x1] =	wrdreg $0xFFFFFFFF  }
0xc2: {  	_ =	task.clear_ibuf [dreg:s7], $0x2FFFF;
	_ =	strace $0x9FFFFFFF  }
0xc3: {  	(tm) =	ssettm $0x7FFFFFFF  }
tec
execute0_lowered:
.L_overlay_start_1:
0x0: {  	(tag) =	ssettag $0x1  }
0x1: {  	s5 =	rddreg [dreg:$0x0]  }
0x2: {  	s0 =	srdreg.scid;
	s7 =	rddreg [dreg:$0x1]  }
0x3: {  	s2 =	rddreg [dreg:$0x2];
	s3 =	simm.s32 $0x0;
	s15 =	simm.s32 $0x5000  }
0x4: {  	s16 =	simm.s32 $0x1;
	s6 =	sand.u32 $0x1, s0;
	s0 =	stileid.u32  }
0x5: {  	s17 =	simm.s32 $0x0;
	[smem:$0x7FF] =	sst s3;
	s9 =	smul.u32 $0x14000, s0  }
0x6: {  	s1 =	sshll.u32 s6, $0x4;
	s10 =	smul.u32 $0x140000, s6;
	s6 =	ssub.s32 $0x2, s6  }
0x7: {  	s29 =	smul.u32 $0x50000, s0;
	s31 =	sshll.u32 s0, $0x6;
	s4 =	sor.u32 s0, s1  }
0x8: {  	s1 =	rddreg [dreg:$0x3];
	_ =	strace $0x8000004D;
	s13 =	sshrl.u32 s6, $0x1  }
0x9: {  	s8 =	smul.u32 $0x500, s4;
	s4 =	sadd.s32 $0xE400, s5;
	s12 =	sshrl.u32 s9, $0x3  }
0xa: {  	s9 =	sadd.s32 s9, s10;
	s13 =	ssub.s32 s6, s13;
	s30 =	sshrl.u32 s29, $0x2  }
0xb: {  	s6 =	sor.u32 $0x1C02, s31;
	s12 =	sadd.s32 s12, s5;
	s9 =	sshrl.u32 s9, $0x3  }
0xc: {  	s14 =	sadd.s32 s30, s2;
	s10 =	smax.u32 s13, $0x1;
	s13 =	simm.s32 $0x2800  }
0xd: {  	s11 =	sadd.s32 s8, s5;
	s9 =	sadd.s32 s9, s5;
	s5 =	sadd.s32 $0x36400, s12  }
0xe: {  	s7 =	sadd.s32 s7, s8;
	s12 =	simm.s32 $0x2;
	s8 =	sadd.s32 $0x4400, s11  }
0xf: {  	s9 =	sadd.s32 $0x5E400, s9;
	s11 =	sshrl.u32 s14, $0x3;
	s14 =	simm.s32 $0x80  }
.LBB2_1:
0x10: {  	[spmem:s11], [sflag:s6] =	dma.local [hbm:s5], $0x2800  }
0x11: {  	_ =	swait.ge [sflag:s12], $0x2800  }
0x12: {  	[sflag:s12] =	ssyncset.done $0x0  }
0x13: {  	[sflag:s12] =	ssyncadd.s32 $0xFFFFD800  }
0x14: {  	[tilespmem:s3], [sflag:$0x2] =	stream.linear.gather [hbm4b:s7+s3], $0x2780, $0x38;
	[tilespmem:$0x1D000] =	vst v63  }
0x15: {  	_ =	swait.ge [sflag:s12], $0x2780  }
0x16: {  	[sflag:s12] =	ssyncset.done $0x0  }
0x17: {  	[sflag:s12] =	ssyncadd.s32 $0xFFFFD880  }
0x18: {  	[tilespmem:s13], [sflag:$0x2] =	stream.linear.gather [hbm4b:s8+s3], $0x2780, $0x38;
	[tilespmem:$0x1D000] =	vst v63  }
0x19: {  	_ =	swait.ge [sflag:s12], $0x2780  }
0x1a: {  	[sflag:s12] =	ssyncset.done $0x0  }
0x1b: {  	[sflag:s12] =	ssyncadd.s32 $0xFFFFD880  }
0x1c: {  	s18 =	simm.s32 $0x0;
	[bflag:$0x0] =	sbarrier.arrive $0xFFFF  }
0x1d: {  	[tilespmem:s15], [sflag:$0x1] =	stream.indirect.gather [hbm4b:s4+s14], $0x80, s18, s14, $0xb8;
	[tilespmem:$0x1D000] =	vst v63  }
0x1e: {  	_ =	swait.ge [sflag:s16], $0x4000  }
0x1f: {  	[sflag:s16] =	ssyncset.done $0x0  }
0x20: {  	s31 =	simm.s32 $0x2800;
	[sflag:s16] =	ssyncadd.s32 $0xFFFFC000  }
0x21: {  	[spmem:s2] =	stream.indirect.scatter.add.f32 [tilespmem:s15], [sflag:$0x2], $0x80, s31, s14, $0xb8;
	[tilespmem:$0x1D000] =	vst v63  }
0x22: {  	_ =	swait.ge [sflag:s12], $0x4000  }
0x23: {  	s19 =	simm.s32 $0x400;
	s18 =	simm.s32 $0x200;
	[sflag:s12] =	ssyncset.done $0x0  }
.LBB2_2:
0x24: {  	s20 =	sshra.s32 s18, $0x2  }
0x25: {  	[sflag:s12] =	ssyncadd.s32 $0xFFFFC000;
	s18 =	smov.u32 s19;
	s21 =	sadd.s32 $0x200, s19  }
0x26: {  	[tilespmem:s15], [sflag:$0x1] =	stream.indirect.gather [hbm4b:s4+s14], $0x80, s20, s14, $0xb8;
	[tilespmem:$0x1D000] =	vst v63  }
0x27: {  	p0 =	sne.s32 s19, $0x9C00;
	_ =	swait.ge [sflag:s16], $0x4000  }
.Ltmp0:
0x28: {  	[sflag:s16] =	ssyncset.done $0x0;
	(pc) =	sbr.rel @p0 .LBB2_2-.Ltmp0, $4  }
0x29: {  	s19 =	sadd.s32 $0x2800, s20;
	[sflag:s16] =	ssyncadd.s32 $0xFFFFC000  }
0x2a: {  	[spmem:s2] =	stream.indirect.scatter.add.f32 [tilespmem:s15], [sflag:$0x2], $0x80, s19, s14, $0xb8;
	[tilespmem:$0x1D000] =	vst v63  }
0x2b: {  	_ =	swait.ge [sflag:s12], $0x4000  }
0x2c: {  	s19 =	smov.u32 s21;
	[sflag:s12] =	ssyncset.done $0x0  }
0x2d: {  	s18 =	sshra.s32 s18, $0x2;
	[sflag:s12] =	ssyncadd.s32 $0xFFFFC000  }
0x2e: {  	[tilespmem:s15], [sflag:$0x1] =	stream.indirect.gather [hbm4b:s4+s14], $0x80, s18, s14, $0xb8;
	[tilespmem:$0x1D000] =	vst v63  }
0x2f: {  	_ =	swait.ge [sflag:s16], $0x4000  }
0x30: {  	[sflag:s16] =	ssyncset.done $0x0  }
0x31: {  	s18 =	sadd.s32 $0x2800, s18;
	[sflag:s16] =	ssyncadd.s32 $0xFFFFC000  }
0x32: {  	[spmem:s2] =	stream.indirect.scatter.add.f32 [tilespmem:s15], [sflag:$0x2], $0x80, s18, s14, $0xb8;
	[tilespmem:$0x1D000] =	vst v63  }
0x33: {  	_ =	swait.ge [sflag:s12], $0x4000  }
0x34: {  	s17 =	sadd.s32 $0x1, s17;
	[sflag:s12] =	ssyncset.done $0x0  }
0x35: {  	p0 =	sne.s32 s17, s10;
	[sflag:s12] =	ssyncadd.s32 $0xFFFFC000  }
.Ltmp1:
0x36: {  	[bflag:$0x0] =	sbarrier.arrive $0xFFFF;
	(pc) =	sbr.rel @p0 .LBB2_1-.Ltmp1, $4  }
0x37: {  	[hbm:s9], [sflag:s6] =	dma.local [spmem:s11], $0x2800  }
0x38: {  	_ =	swait.ge [sflag:s12], $0x2800  }
0x39: {  	[sflag:s12] =	ssyncset.done $0x0  }
0x3a: {  	[sflag:s12] =	ssyncadd.s32 $0xFFFFD800  }
0x3b: {  	_ =	sfence.sel $0x180000  }
0x3c: {  	[bflag:$0x0] =	sbarrier.arrive $0xFFFF  }
0x3d: {  	p0 =	sne.s32 s0, $0x0;
	_ =	strace $0x9000004D  }
0x3e: {  	s0 =	sadd.s32 @!p0 $0x100000, s1;
	[bflag:$0x2] =	sbarrier.arrive $0xFFFF  }
0x3f: {  	[sflag:s0] =	ssyncadd.tile.s32 @!p0 $0x1;
	_ =	shalt  }
.Lfunc_end2:
_tile_overlayer_lowered:
.L_overlay_start_2:
0x40: {  	(tag) =	ssettag $0x2  }
0x41: {  	s0 =	rddreg [dreg:$0x0];
	s2 =	stileid.u32  }
0x42: {  	s1 =	rddreg [dreg:$0x1];
	p0 =	sne.s32 s2, $0x0  }
0x43: {  	s3 =	rddreg [dreg:$0x2];
	[bflag:$0x3] =	sbarrier.arrive $0xFFFF;
	s2 =	simm.s32 @!p0 $0x1C02  }
0x44: {  	[timem:s3], [sflag:s2] =	dma.local @!p0 [hbm:s0], s1  }
0x45: {  	s0 =	simm.s32 @!p0 $0x2  }
0x46: {  	_ =	swait.ge @!p0 [sflag:s0], s1  }
0x47: {  	s1 =	ssub.s32 @!p0 $0x0, s1;
	[sflag:s0] =	ssyncset.done @!p0 $0x0  }
0x48: {  	[sflag:s0] =	ssyncadd.s32 @!p0 s1  }
0x49: {  	[bflag:$0x3] =	sbarrier.arrive $0xFFFF  }
0x4a: {  	_ =	shalt  }

// kernel: kernel.20.cloned.1.call-start
scs
__scs_entry_jumppad:
0x0: {  	(pc) =	sbr.rel $0x88, $3  }
0x1: {  	(tag) =	ssettag $0x0;
	lr =	simm.s32 $0x1  }
0x2: {  	[smem:$0x3F93] =	sst lr;
	_ =	strace $0xD0000000  }
0x3: {  	_ = 	snop  }
0x4: {  	_ = 	snop  }
0x5: {  	_ = 	snop  }
0x6: {  	_ = 	snop  }
0x7: {  	_ = 	snop  }
__scs_overlays_trampoline_lowered:
0x8: {  	[smem:$0x3FA2] =	sst s0  }
0x9: {  	[smem:$0x3FA3] =	sst s1  }
0xa: {  	[smem:$0x3FA4] =	sst s2  }
0xb: {  	[smem:$0x3FA5] =	sst s3  }
0xc: {  	[smem:$0x3FA6] =	sst s4  }
0xd: {  	[smem:$0x3FA7] =	sst s5  }
0xe: {  	[smem:$0x3FA8] =	sst s6  }
0xf: {  	[smem:$0x3FA9] =	sst s7  }
0x10: {  	[smem:$0x3FAA] =	sst s8  }
0x11: {  	[smem:$0x3FAB] =	sst s9;
	s0 =	simm.s32 @!p0 $0x0  }
0x12: {  	s1 =	sld [smem:$0x3F91];
	s0 =	simm.s32 @p0 $0x1  }
0x13: {  	[smem:$0x3FAC] =	sst s0;
	s0 =	simm.s32 @!p1 $0x0  }
0x14: {  	s2 =	sld [smem:$0x3F90];
	s0 =	simm.s32 @p1 $0x1  }
0x15: {  	[smem:$0x3FAD] =	sst s0;
	s0 =	simm.s32 @!p2 $0x0  }
0x16: {  	s3 =	sld [smem:$0x3FDB];
	s0 =	simm.s32 @p2 $0x1  }
0x17: {  	s4 =	simm.s32 $0x1BF5;
	[smem:$0x3FAF] =	sst s0  }
0x18: {  	s0 =	sld [smem:$0x3F92];
	_ =	swait.ge [sflag:s4], $0x0  }
0x19: {  	s7 =	sld [smem:$0x3F93]  }
0x1a: {  	s8 =	sadd.s32 $0xFFFFE003, lr  }
0x1b: {  	s9 =	sadd.s32 $0xFFFFFEF7, lr;
	s5 =	simm.s32 $0xFFFFFFFF;
	p2 =	slt.u32 s8, $0xFFFFF086  }
0x1c: {  	p1 =	slt.u32 s9, $0xF7A;
	s5 =	simm.s32 @!p2 $0x0  }
0x1d: {  	s5 =	simm.s32 @p1 $0x1;
	p0 =	seq.s32 s7, s2  }
0x1e: {  	s7 =	smul.u32 @!p0 $0xF7A, s2;
	p2 =	seq.s32 @!p0 s5, $0x0  }
0x1f: {  	s9 =	smul.u32 $0xF7A, s1;
	s8 =	simm.s32 @!p0 $0x1BF5;
	p2 =	por !p2, p0  }
0x20: {  	[sflag:s8] =	ssyncset.s32 @!p0 $0xFFFFF086;
	s6 =	sadd.s32 @!p0 s3, s7;
	s7 =	simm.s32 @!p0 $0x108  }
0x21: {  	s3 =	sadd.s32 s3, s9;
	s6 =	sadd.s32 @!p0 $0x88, s6;
	s7 =	simm.s32 @p2 $0x1082  }
0x22: {  	[simem:s7], [sflag:s8] =	dma.local @!p0 [hbm:s6], $0xF7A  }
0x23: {  	s9 =	sor.u32 $0xD0000000, s2;
	s6 =	simm.s32 $0x108;
	_ =	swait.ge @!p0 [sflag:s8], $0x0  }
0x24: {  	s3 =	sadd.s32 $0x88, s3;
	s6 =	simm.s32 @!p1 $0x1082;
	[sflag:s4] =	ssyncset.s32 $0xFFFFF086  }
0x25: {  	[simem:s6], [sflag:s4] =	dma.local [hbm:s3], $0xF7A  }
0x26: {  	[smem:$0x3F93] =	sst s1;
	(tag) =	ssettag s2;
	_ =	strace s9  }
0x27: {  	s1 =	sld [smem:$0x3FA3]  }
0x28: {  	s2 =	sld [smem:$0x3FA4]  }
0x29: {  	s4 =	sld [smem:$0x3FA6]  }
0x2a: {  	p0 =	seq.s32 s5, $0x0;
	s5 =	sld [smem:$0x3FA7]  }
0x2b: {  	s6 =	sld [smem:$0x3FA8]  }
0x2c: {  	s7 =	sld [smem:$0x3FA9]  }
0x2d: {  	s3 =	simm.s32 $0x108;
	s8 =	sld [smem:$0x3FAA]  }
0x2e: {  	s3 =	simm.s32 @!p0 $0x1082;
	s9 =	sld [smem:$0x3FAB]  }
0x2f: {  	lr =	sadd.s32 s0, s3;
	s0 =	sld [smem:$0x3FA2]  }
0x30: {  	s3 =	sld [smem:$0x3FA5]  }
0x31: {  	[smem:$0x3FAE] =	sst s10  }
0x32: {  	s10 =	sld [smem:$0x3FAC];
	_ =	sdelay $0x3  }
0x33: {  	p0 =	seq.s32 s10, $0x1;
	s10 =	sld [smem:$0x3FAE];
	_ =	sdelay $0x3  }
0x34: {  	[smem:$0x3FAE] =	sst s10  }
0x35: {  	s10 =	sld [smem:$0x3FAD];
	_ =	sdelay $0x3  }
0x36: {  	p1 =	seq.s32 s10, $0x1;
	s10 =	sld [smem:$0x3FAE];
	_ =	sdelay $0x3  }
0x37: {  	[smem:$0x3FAE] =	sst s10  }
0x38: {  	s10 =	sld [smem:$0x3FAF]  }
0x39: {  	_ = 	snop;
	(pc) =	sbr.ind lr, $3  }
0x3a: {  	_ = 	snop  }
0x3b: {  	_ = 	snop  }
0x3c: {  	p2 =	seq.s32 s10, $0x1;
	s10 =	sld [smem:$0x3FAE]  }
0x3d: {  	_ =	shalt  }
0x3e: {  	_ =	shalt  }
0x3f: {  	_ =	shalt  }
0x40: {  	_ =	shalt  }
0x41: {  	_ =	shalt  }
0x42: {  	_ =	shalt  }
0x43: {  	_ =	shalt  }
0x44: {  	_ =	shalt  }
0x45: {  	_ =	shalt  }
0x46: {  	_ =	shalt  }
0x47: {  	_ =	shalt  }
0x48: {  	_ =	shalt  }
0x49: {  	_ =	shalt  }
0x4a: {  	_ =	shalt  }
0x4b: {  	_ =	shalt  }
0x4c: {  	_ =	shalt  }
0x4d: {  	_ =	shalt  }
0x4e: {  	_ =	shalt  }
0x4f: {  	_ =	shalt  }
0x50: {  	_ =	shalt  }
0x51: {  	_ =	shalt  }
0x52: {  	_ =	shalt  }
0x53: {  	_ =	shalt  }
0x54: {  	_ =	shalt  }
0x55: {  	_ =	shalt  }
0x56: {  	_ =	shalt  }
0x57: {  	_ =	shalt  }
0x58: {  	_ =	shalt  }
0x59: {  	_ =	shalt  }
0x5a: {  	_ =	shalt  }
0x5b: {  	_ =	shalt  }
0x5c: {  	_ =	shalt  }
0x5d: {  	_ =	shalt  }
0x5e: {  	_ =	shalt  }
0x5f: {  	_ =	shalt  }
0x60: {  	_ =	shalt  }
0x61: {  	_ =	shalt  }
0x62: {  	_ =	shalt  }
0x63: {  	_ =	shalt  }
0x64: {  	_ =	shalt  }
0x65: {  	_ =	shalt  }
0x66: {  	_ =	shalt  }
0x67: {  	_ =	shalt  }
0x68: {  	_ =	shalt  }
0x69: {  	_ =	shalt  }
0x6a: {  	_ =	shalt  }
0x6b: {  	_ =	shalt  }
0x6c: {  	_ =	shalt  }
0x6d: {  	_ =	shalt  }
0x6e: {  	_ =	shalt  }
0x6f: {  	_ =	shalt  }
0x70: {  	_ =	shalt  }
0x71: {  	_ =	shalt  }
0x72: {  	_ =	shalt  }
0x73: {  	_ =	shalt  }
0x74: {  	_ =	shalt  }
0x75: {  	_ =	shalt  }
0x76: {  	_ =	shalt  }
0x77: {  	_ =	shalt  }
0x78: {  	_ =	shalt  }
0x79: {  	_ =	shalt  }
0x7a: {  	_ =	shalt  }
0x7b: {  	_ =	shalt  }
0x7c: {  	_ =	shalt  }
0x7d: {  	_ =	shalt  }
0x7e: {  	_ =	shalt  }
0x7f: {  	_ =	shalt  }
0x80: {  	_ =	shalt  }
0x81: {  	_ =	shalt  }
0x82: {  	_ =	shalt  }
0x83: {  	_ =	shalt  }
0x84: {  	_ =	shalt  }
0x85: {  	_ =	shalt  }
0x86: {  	_ =	shalt  }
0x87: {  	_ =	shalt  }
.Lfunc_end0:
.L_simem_size_0:
called_computation.3_lowered:
.L_overlay_start_0:
0x88: {  	s2 =	sld [smem:$0x3FD9]  }
0x89: {  	s3 =	sld [smem:$0x3FFE];
	_ =	sdelay $0x1  }
0x8a: {  	s1 =	srdreg.scid  }
0x8b: {  	s0 =	sand.u32 $0x1, s1  }
0x8c: {  	s17 =	sshll.u32 s0, $0xA;
	s2 =	sadd.s32 s3, s2  }
0x8d: {  	s2 =	sadd.s32 s2, s17  }
0x8e: {  	[smem:$0x3FBA] =	sst s2  }
0x8f: {  	_ = 	snop  }
0x90: {  	s2 =	sld [smem:$0x3FD0];
	(tm) =	ssettm $0x1  }
0x91: {  	s18 =	sld [smem:$0x3FFB];
	_ =	sdelay $0x3  }
0x92: {  	_ =	strace s18  }
0x93: {  	s3 =	sld [smem:$0x3FFC];
	_ =	sdelay $0x3  }
0x94: {  	_ =	strace s3  }
0x95: {  	s3 =	sld [smem:$0x3FFD];
	_ =	sdelay $0x3  }
0x96: {  	_ =	strace s3  }
0x97: {  	_ =	strace $0x8FFFFFFF  }
0x98: {  	s19 =	sld [smem:$0x3FDB];
	_ =	sdelay $0x1  }
0x99: {  	s4 =	simm.s32 $_scs_section_size  }
0x9a: {  	s5 =	simm.s32 $_size__tile_overlayer_lowered;
	s6 =	simm.s32 $_tile_overlayer_lowered  }
0x9b: {  	s22 =	simm.s32 $0x1BFF;
	s21 =	sshll.u32 s6, $0x1;
	s3 =	sadd.s32 s4, s19  }
0x9c: {  	s7 =	simm.s32 $0x0;
	s20 =	sshll.u32 s5, $0x1;
	s5 =	sadd.s32 s21, s3  }
0x9d: {  	[timem:s7], [sflag:s22] =	dma.local [hbm:s5], s20  }
0x9e: {  	_ =	swait.ge [sflag:s22], s20  }
0x9f: {  	s4 =	ssub.s32 $0x0, s20;
	[sflag:s22] =	ssyncset.done $0x0  }
0xa0: {  	[sflag:s22] =	ssyncadd.s32 s4;
	_ =	sdelay $0x1  }
0xa1: {  	s23 =	simm.s32 $0x1B8B  }
0xa2: {  	_ =	swait.ge [sflag:s23], $0x1  }
0xa3: {  	[sflag:s23] =	ssyncset.done $0x0  }
0xa4: {  	s25 =	simm.s32 $0x1B8E;
	s24 =	sld [smem:$0x3FFE];
	[sflag:s23] =	ssyncadd.s32 $0xFFFFFFFF  }
0xa5: {  	s26 =	simm.s32 $execute0_lowered;
	[smem:$0x3FD2] =	sst s25  }
0xa6: {  	s5 =	sshll.u32 s26, $0x1;
	_ =	strace $0x8000004F;
	[dreg:$0x1] =	wrdreg $0xFFFFFFFF  }
0xa7: {  	s28 =	simm.s32 $_size_execute0_lowered;
	s3 =	sadd.s32 s3, s5;
	[dreg:$0x0] =	wrdreg $0x0  }
0xa8: {  	s5 =	sshll.u32 s28, $0x1;
	[dreg:$0x2] =	wrdreg s3  }
0xa9: {  	[dreg:$0x3] =	wrdreg s5  }
0xaa: {  	[dreg:$0x4] =	wrdreg $0xC0  }
0xab: {  	_ =	task [dreg:s7], $0x5FFFF  }
0xac: {  	[dreg:$0x1] =	wrdreg $0xFFFFFFFF  }
0xad: {  	[dreg:$0x0] =	wrdreg $0x60  }
0xae: {  	[dreg:$0x2] =	wrdreg s24  }
0xaf: {  	[dreg:$0x3] =	wrdreg s2  }
0xb0: {  	[dreg:$0x4] =	wrdreg $0x90000  }
0xb1: {  	[dreg:$0x5] =	wrdreg $0x9  }
0xb2: {  	_ =	task.clear_ibuf [dreg:s7], $0x6FFFF;
	_ =	strace $0x9000004F  }
0xb3: {  	s29 =	simm.s32 $0x9;
	_ =	strace $0x80000051  }
0xb4: {  	_ =	swait.ge [sflag:s29], $0x1  }
0xb5: {  	[sflag:s29] =	ssyncadd.s32 $0xFFFFFFFF  }
0xb6: {  	_ =	strace $0x90000051  }
0xb7: {  	_ =	sfence  }
0xb8: {  	s30 =	sld [smem:$0x0];
	_ =	sdelay $0x2  }
0xb9: {  	s31 =	sshll.u32 s1, $0xD;
	s1 =	sshrl.u32 s1, $0x2  }
0xba: {  	s3 =	sand.u32 $0x4000, s31;
	s1 =	sadd.s32 s1, s30  }
0xbb: {  	s0 =	sor.u32 s3, s0;
	s1 =	sshll.u32 s1, $0x11  }
0xbc: {  	s0 =	sor.u32 s1, s0  }
0xbd: {  	s0 =	sadd.s32 $0x8F2B, s0  }
0xbe: {  	[sflag:s0] =	ssyncadd.remote.s32 $0x1  }
0xbf: {  	_ =	sfence.sel $0xFFFF  }
0xc0: {  	[dreg:$0x0] =	wrdreg $0xFFFFFFFF;
	(pc) =	sbr.abs _section_cstart, $3  }
0xc1: {  	[dreg:$0x1] =	wrdreg $0xFFFFFFFF  }
0xc2: {  	_ =	task.clear_ibuf [dreg:s7], $0x2FFFF;
	_ =	strace $0x9FFFFFFF  }
0xc3: {  	(tm) =	ssettm $0x7FFFFFFF  }
tec
execute0_lowered:
.L_overlay_start_1:
0x0: {  	(tag) =	ssettag $0x1  }
0x1: {  	s5 =	rddreg [dreg:$0x0]  }
0x2: {  	s0 =	srdreg.scid;
	s7 =	rddreg [dreg:$0x1]  }
0x3: {  	s2 =	rddreg [dreg:$0x2];
	s3 =	simm.s32 $0x0;
	s15 =	simm.s32 $0x5000  }
0x4: {  	s16 =	simm.s32 $0x1;
	s6 =	sand.u32 $0x1, s0;
	s0 =	stileid.u32  }
0x5: {  	s17 =	simm.s32 $0x0;
	[smem:$0x7FF] =	sst s3;
	s9 =	smul.u32 $0x14000, s0  }
0x6: {  	s1 =	sshll.u32 s6, $0x4;
	s10 =	smul.u32 $0x140000, s6;
	s6 =	ssub.s32 $0x2, s6  }
0x7: {  	s29 =	smul.u32 $0x50000, s0;
	s31 =	sshll.u32 s0, $0x6;
	s4 =	sor.u32 s0, s1  }
0x8: {  	s1 =	rddreg [dreg:$0x3];
	_ =	strace $0x80000050;
	s13 =	sshrl.u32 s6, $0x1  }
0x9: {  	s8 =	smul.u32 $0x500, s4;
	s4 =	sadd.s32 $0xE400, s5;
	s12 =	sshrl.u32 s9, $0x3  }
0xa: {  	s9 =	sadd.s32 s9, s10;
	s13 =	ssub.s32 s6, s13;
	s30 =	sshrl.u32 s29, $0x2  }
0xb: {  	s6 =	sor.u32 $0x1C02, s31;
	s12 =	sadd.s32 s12, s5;
	s9 =	sshrl.u32 s9, $0x3  }
0xc: {  	s14 =	sadd.s32 s30, s2;
	s10 =	smax.u32 s13, $0x1;
	s13 =	simm.s32 $0x2800  }
0xd: {  	s11 =	sadd.s32 s8, s5;
	s9 =	sadd.s32 s9, s5;
	s5 =	sadd.s32 $0x36400, s12  }
0xe: {  	s7 =	sadd.s32 s7, s8;
	s12 =	simm.s32 $0x2;
	s8 =	sadd.s32 $0x4400, s11  }
0xf: {  	s9 =	sadd.s32 $0x5E400, s9;
	s11 =	sshrl.u32 s14, $0x3;
	s14 =	simm.s32 $0x80  }
.LBB2_1:
0x10: {  	[spmem:s11], [sflag:s6] =	dma.local [hbm:s5], $0x2800  }
0x11: {  	_ =	swait.ge [sflag:s12], $0x2800  }
0x12: {  	[sflag:s12] =	ssyncset.done $0x0  }
0x13: {  	[sflag:s12] =	ssyncadd.s32 $0xFFFFD800  }
0x14: {  	[tilespmem:s3], [sflag:$0x2] =	stream.linear.gather [hbm4b:s7+s3], $0x2780, $0x38;
	[tilespmem:$0x1D000] =	vst v63  }
0x15: {  	_ =	swait.ge [sflag:s12], $0x2780  }
0x16: {  	[sflag:s12] =	ssyncset.done $0x0  }
0x17: {  	[sflag:s12] =	ssyncadd.s32 $0xFFFFD880  }
0x18: {  	[tilespmem:s13], [sflag:$0x2] =	stream.linear.gather [hbm4b:s8+s3], $0x2780, $0x38;
	[tilespmem:$0x1D000] =	vst v63  }
0x19: {  	_ =	swait.ge [sflag:s12], $0x2780  }
0x1a: {  	[sflag:s12] =	ssyncset.done $0x0  }
0x1b: {  	[sflag:s12] =	ssyncadd.s32 $0xFFFFD880  }
0x1c: {  	s18 =	simm.s32 $0x0;
	[bflag:$0x0] =	sbarrier.arrive $0xFFFF  }
0x1d: {  	[tilespmem:s15], [sflag:$0x1] =	stream.indirect.gather [hbm4b:s4+s14], $0x80, s18, s14, $0xb8;
	[tilespmem:$0x1D000] =	vst v63  }
0x1e: {  	_ =	swait.ge [sflag:s16], $0x4000  }
0x1f: {  	[sflag:s16] =	ssyncset.done $0x0  }
0x20: {  	s31 =	simm.s32 $0x2800;
	[sflag:s16] =	ssyncadd.s32 $0xFFFFC000  }
0x21: {  	[spmem:s2] =	stream.indirect.scatter.add.f32 [tilespmem:s15], [sflag:$0x2], $0x80, s31, s14, $0xb8;
	[tilespmem:$0x1D000] =	vst v63  }
0x22: {  	_ =	swait.ge [sflag:s12], $0x4000  }
0x23: {  	s19 =	simm.s32 $0x400;
	s18 =	simm.s32 $0x200;
	[sflag:s12] =	ssyncset.done $0x0  }
.LBB2_2:
0x24: {  	s20 =	sshra.s32 s18, $0x2  }
0x25: {  	[sflag:s12] =	ssyncadd.s32 $0xFFFFC000;
	s18 =	smov.u32 s19;
	s21 =	sadd.s32 $0x200, s19  }
0x26: {  	[tilespmem:s15], [sflag:$0x1] =	stream.indirect.gather [hbm4b:s4+s14], $0x80, s20, s14, $0xb8;
	[tilespmem:$0x1D000] =	vst v63  }
0x27: {  	p0 =	sne.s32 s19, $0x9C00;
	_ =	swait.ge [sflag:s16], $0x4000  }
.Ltmp0:
0x28: {  	[sflag:s16] =	ssyncset.done $0x0;
	(pc) =	sbr.rel @p0 .LBB2_2-.Ltmp0, $4  }
0x29: {  	s19 =	sadd.s32 $0x2800, s20;
	[sflag:s16] =	ssyncadd.s32 $0xFFFFC000  }
0x2a: {  	[spmem:s2] =	stream.indirect.scatter.add.f32 [tilespmem:s15], [sflag:$0x2], $0x80, s19, s14, $0xb8;
	[tilespmem:$0x1D000] =	vst v63  }
0x2b: {  	_ =	swait.ge [sflag:s12], $0x4000  }
0x2c: {  	s19 =	smov.u32 s21;
	[sflag:s12] =	ssyncset.done $0x0  }
0x2d: {  	s18 =	sshra.s32 s18, $0x2;
	[sflag:s12] =	ssyncadd.s32 $0xFFFFC000  }
0x2e: {  	[tilespmem:s15], [sflag:$0x1] =	stream.indirect.gather [hbm4b:s4+s14], $0x80, s18, s14, $0xb8;
	[tilespmem:$0x1D000] =	vst v63  }
0x2f: {  	_ =	swait.ge [sflag:s16], $0x4000  }
0x30: {  	[sflag:s16] =	ssyncset.done $0x0  }
0x31: {  	s18 =	sadd.s32 $0x2800, s18;
	[sflag:s16] =	ssyncadd.s32 $0xFFFFC000  }
0x32: {  	[spmem:s2] =	stream.indirect.scatter.add.f32 [tilespmem:s15], [sflag:$0x2], $0x80, s18, s14, $0xb8;
	[tilespmem:$0x1D000] =	vst v63  }
0x33: {  	_ =	swait.ge [sflag:s12], $0x4000  }
0x34: {  	s17 =	sadd.s32 $0x1, s17;
	[sflag:s12] =	ssyncset.done $0x0  }
0x35: {  	p0 =	sne.s32 s17, s10;
	[sflag:s12] =	ssyncadd.s32 $0xFFFFC000  }
.Ltmp1:
0x36: {  	[bflag:$0x0] =	sbarrier.arrive $0xFFFF;
	(pc) =	sbr.rel @p0 .LBB2_1-.Ltmp1, $4  }
0x37: {  	[hbm:s9], [sflag:s6] =	dma.local [spmem:s11], $0x2800  }
0x38: {  	_ =	swait.ge [sflag:s12], $0x2800  }
0x39: {  	[sflag:s12] =	ssyncset.done $0x0  }
0x3a: {  	[sflag:s12] =	ssyncadd.s32 $0xFFFFD800  }
0x3b: {  	_ =	sfence.sel $0x180000  }
0x3c: {  	[bflag:$0x0] =	sbarrier.arrive $0xFFFF  }
0x3d: {  	p0 =	sne.s32 s0, $0x0;
	_ =	strace $0x90000050  }
0x3e: {  	s0 =	sadd.s32 @!p0 $0x100000, s1;
	[bflag:$0x2] =	sbarrier.arrive $0xFFFF  }
0x3f: {  	[sflag:s0] =	ssyncadd.tile.s32 @!p0 $0x1;
	_ =	shalt  }
.Lfunc_end2:
_tile_overlayer_lowered:
.L_overlay_start_2:
0x40: {  	(tag) =	ssettag $0x2  }
0x41: {  	s0 =	rddreg [dreg:$0x0];
	s2 =	stileid.u32  }
0x42: {  	s1 =	rddreg [dreg:$0x1];
	p0 =	sne.s32 s2, $0x0  }
0x43: {  	s3 =	rddreg [dreg:$0x2];
	[bflag:$0x3] =	sbarrier.arrive $0xFFFF;
	s2 =	simm.s32 @!p0 $0x1C02  }
0x44: {  	[timem:s3], [sflag:s2] =	dma.local @!p0 [hbm:s0], s1  }
0x45: {  	s0 =	simm.s32 @!p0 $0x2  }
0x46: {  	_ =	swait.ge @!p0 [sflag:s0], s1  }
0x47: {  	s1 =	ssub.s32 @!p0 $0x0, s1;
	[sflag:s0] =	ssyncset.done @!p0 $0x0  }
0x48: {  	[sflag:s0] =	ssyncadd.s32 @!p0 s1  }
0x49: {  	[bflag:$0x3] =	sbarrier.arrive $0xFFFF  }
0x4a: {  	_ =	shalt  }

// kernel: kernel.23.cloned.1.call-start
scs
__scs_entry_jumppad:
0x0: {  	(pc) =	sbr.rel $0x88, $3  }
0x1: {  	(tag) =	ssettag $0x0;
	lr =	simm.s32 $0x1  }
0x2: {  	[smem:$0x3F93] =	sst lr;
	_ =	strace $0xD0000000  }
0x3: {  	_ = 	snop  }
0x4: {  	_ = 	snop  }
0x5: {  	_ = 	snop  }
0x6: {  	_ = 	snop  }
0x7: {  	_ = 	snop  }
__scs_overlays_trampoline_lowered:
0x8: {  	[smem:$0x3FA2] =	sst s0  }
0x9: {  	[smem:$0x3FA3] =	sst s1  }
0xa: {  	[smem:$0x3FA4] =	sst s2  }
0xb: {  	[smem:$0x3FA5] =	sst s3  }
0xc: {  	[smem:$0x3FA6] =	sst s4  }
0xd: {  	[smem:$0x3FA7] =	sst s5  }
0xe: {  	[smem:$0x3FA8] =	sst s6  }
0xf: {  	[smem:$0x3FA9] =	sst s7  }
0x10: {  	[smem:$0x3FAA] =	sst s8  }
0x11: {  	[smem:$0x3FAB] =	sst s9;
	s0 =	simm.s32 @!p0 $0x0  }
0x12: {  	s1 =	sld [smem:$0x3F91];
	s0 =	simm.s32 @p0 $0x1  }
0x13: {  	[smem:$0x3FAC] =	sst s0;
	s0 =	simm.s32 @!p1 $0x0  }
0x14: {  	s2 =	sld [smem:$0x3F90];
	s0 =	simm.s32 @p1 $0x1  }
0x15: {  	[smem:$0x3FAD] =	sst s0;
	s0 =	simm.s32 @!p2 $0x0  }
0x16: {  	s3 =	sld [smem:$0x3FDB];
	s0 =	simm.s32 @p2 $0x1  }
0x17: {  	s4 =	simm.s32 $0x1BF5;
	[smem:$0x3FAF] =	sst s0  }
0x18: {  	s0 =	sld [smem:$0x3F92];
	_ =	swait.ge [sflag:s4], $0x0  }
0x19: {  	s7 =	sld [smem:$0x3F93]  }
0x1a: {  	s8 =	sadd.s32 $0xFFFFE003, lr  }
0x1b: {  	s9 =	sadd.s32 $0xFFFFFEF7, lr;
	s5 =	simm.s32 $0xFFFFFFFF;
	p2 =	slt.u32 s8, $0xFFFFF086  }
0x1c: {  	p1 =	slt.u32 s9, $0xF7A;
	s5 =	simm.s32 @!p2 $0x0  }
0x1d: {  	s5 =	simm.s32 @p1 $0x1;
	p0 =	seq.s32 s7, s2  }
0x1e: {  	s7 =	smul.u32 @!p0 $0xF7A, s2;
	p2 =	seq.s32 @!p0 s5, $0x0  }
0x1f: {  	s9 =	smul.u32 $0xF7A, s1;
	s8 =	simm.s32 @!p0 $0x1BF5;
	p2 =	por !p2, p0  }
0x20: {  	[sflag:s8] =	ssyncset.s32 @!p0 $0xFFFFF086;
	s6 =	sadd.s32 @!p0 s3, s7;
	s7 =	simm.s32 @!p0 $0x108  }
0x21: {  	s3 =	sadd.s32 s3, s9;
	s6 =	sadd.s32 @!p0 $0x88, s6;
	s7 =	simm.s32 @p2 $0x1082  }
0x22: {  	[simem:s7], [sflag:s8] =	dma.local @!p0 [hbm:s6], $0xF7A  }
0x23: {  	s9 =	sor.u32 $0xD0000000, s2;
	s6 =	simm.s32 $0x108;
	_ =	swait.ge @!p0 [sflag:s8], $0x0  }
0x24: {  	s3 =	sadd.s32 $0x88, s3;
	s6 =	simm.s32 @!p1 $0x1082;
	[sflag:s4] =	ssyncset.s32 $0xFFFFF086  }
0x25: {  	[simem:s6], [sflag:s4] =	dma.local [hbm:s3], $0xF7A  }
0x26: {  	[smem:$0x3F93] =	sst s1;
	(tag) =	ssettag s2;
	_ =	strace s9  }
0x27: {  	s1 =	sld [smem:$0x3FA3]  }
0x28: {  	s2 =	sld [smem:$0x3FA4]  }
0x29: {  	s4 =	sld [smem:$0x3FA6]  }
0x2a: {  	p0 =	seq.s32 s5, $0x0;
	s5 =	sld [smem:$0x3FA7]  }
0x2b: {  	s6 =	sld [smem:$0x3FA8]  }
0x2c: {  	s7 =	sld [smem:$0x3FA9]  }
0x2d: {  	s3 =	simm.s32 $0x108;
	s8 =	sld [smem:$0x3FAA]  }
0x2e: {  	s3 =	simm.s32 @!p0 $0x1082;
	s9 =	sld [smem:$0x3FAB]  }
0x2f: {  	lr =	sadd.s32 s0, s3;
	s0 =	sld [smem:$0x3FA2]  }
0x30: {  	s3 =	sld [smem:$0x3FA5]  }
0x31: {  	[smem:$0x3FAE] =	sst s10  }
0x32: {  	s10 =	sld [smem:$0x3FAC];
	_ =	sdelay $0x3  }
0x33: {  	p0 =	seq.s32 s10, $0x1;
	s10 =	sld [smem:$0x3FAE];
	_ =	sdelay $0x3  }
0x34: {  	[smem:$0x3FAE] =	sst s10  }
0x35: {  	s10 =	sld [smem:$0x3FAD];
	_ =	sdelay $0x3  }
0x36: {  	p1 =	seq.s32 s10, $0x1;
	s10 =	sld [smem:$0x3FAE];
	_ =	sdelay $0x3  }
0x37: {  	[smem:$0x3FAE] =	sst s10  }
0x38: {  	s10 =	sld [smem:$0x3FAF]  }
0x39: {  	_ = 	snop;
	(pc) =	sbr.ind lr, $3  }
0x3a: {  	_ = 	snop  }
0x3b: {  	_ = 	snop  }
0x3c: {  	p2 =	seq.s32 s10, $0x1;
	s10 =	sld [smem:$0x3FAE]  }
0x3d: {  	_ =	shalt  }
0x3e: {  	_ =	shalt  }
0x3f: {  	_ =	shalt  }
0x40: {  	_ =	shalt  }
0x41: {  	_ =	shalt  }
0x42: {  	_ =	shalt  }
0x43: {  	_ =	shalt  }
0x44: {  	_ =	shalt  }
0x45: {  	_ =	shalt  }
0x46: {  	_ =	shalt  }
0x47: {  	_ =	shalt  }
0x48: {  	_ =	shalt  }
0x49: {  	_ =	shalt  }
0x4a: {  	_ =	shalt  }
0x4b: {  	_ =	shalt  }
0x4c: {  	_ =	shalt  }
0x4d: {  	_ =	shalt  }
0x4e: {  	_ =	shalt  }
0x4f: {  	_ =	shalt  }
0x50: {  	_ =	shalt  }
0x51: {  	_ =	shalt  }
0x52: {  	_ =	shalt  }
0x53: {  	_ =	shalt  }
0x54: {  	_ =	shalt  }
0x55: {  	_ =	shalt  }
0x56: {  	_ =	shalt  }
0x57: {  	_ =	shalt  }
0x58: {  	_ =	shalt  }
0x59: {  	_ =	shalt  }
0x5a: {  	_ =	shalt  }
0x5b: {  	_ =	shalt  }
0x5c: {  	_ =	shalt  }
0x5d: {  	_ =	shalt  }
0x5e: {  	_ =	shalt  }
0x5f: {  	_ =	shalt  }
0x60: {  	_ =	shalt  }
0x61: {  	_ =	shalt  }
0x62: {  	_ =	shalt  }
0x63: {  	_ =	shalt  }
0x64: {  	_ =	shalt  }
0x65: {  	_ =	shalt  }
0x66: {  	_ =	shalt  }
0x67: {  	_ =	shalt  }
0x68: {  	_ =	shalt  }
0x69: {  	_ =	shalt  }
0x6a: {  	_ =	shalt  }
0x6b: {  	_ =	shalt  }
0x6c: {  	_ =	shalt  }
0x6d: {  	_ =	shalt  }
0x6e: {  	_ =	shalt  }
0x6f: {  	_ =	shalt  }
0x70: {  	_ =	shalt  }
0x71: {  	_ =	shalt  }
0x72: {  	_ =	shalt  }
0x73: {  	_ =	shalt  }
0x74: {  	_ =	shalt  }
0x75: {  	_ =	shalt  }
0x76: {  	_ =	shalt  }
0x77: {  	_ =	shalt  }
0x78: {  	_ =	shalt  }
0x79: {  	_ =	shalt  }
0x7a: {  	_ =	shalt  }
0x7b: {  	_ =	shalt  }
0x7c: {  	_ =	shalt  }
0x7d: {  	_ =	shalt  }
0x7e: {  	_ =	shalt  }
0x7f: {  	_ =	shalt  }
0x80: {  	_ =	shalt  }
0x81: {  	_ =	shalt  }
0x82: {  	_ =	shalt  }
0x83: {  	_ =	shalt  }
0x84: {  	_ =	shalt  }
0x85: {  	_ =	shalt  }
0x86: {  	_ =	shalt  }
0x87: {  	_ =	shalt  }
.Lfunc_end0:
.L_simem_size_0:
called_computation.4_lowered:
.L_overlay_start_0:
0x88: {  	s2 =	sld [smem:$0x3FD9]  }
0x89: {  	s3 =	sld [smem:$0x3FFE];
	_ =	sdelay $0x1  }
0x8a: {  	s1 =	srdreg.scid  }
0x8b: {  	s0 =	sand.u32 $0x1, s1  }
0x8c: {  	s17 =	sshll.u32 s0, $0xA;
	s2 =	sadd.s32 s3, s2  }
0x8d: {  	s2 =	sadd.s32 s2, s17  }
0x8e: {  	[smem:$0x3FBA] =	sst s2  }
0x8f: {  	_ = 	snop  }
0x90: {  	s2 =	sld [smem:$0x3FD0];
	(tm) =	ssettm $0x1  }
0x91: {  	s18 =	sld [smem:$0x3FFB];
	_ =	sdelay $0x3  }
0x92: {  	_ =	strace s18  }
0x93: {  	s3 =	sld [smem:$0x3FFC];
	_ =	sdelay $0x3  }
0x94: {  	_ =	strace s3  }
0x95: {  	s3 =	sld [smem:$0x3FFD];
	_ =	sdelay $0x3  }
0x96: {  	_ =	strace s3  }
0x97: {  	_ =	strace $0x8FFFFFFF  }
0x98: {  	s19 =	sld [smem:$0x3FDB];
	_ =	sdelay $0x1  }
0x99: {  	s4 =	simm.s32 $_scs_section_size  }
0x9a: {  	s5 =	simm.s32 $_size__tile_overlayer_lowered;
	s6 =	simm.s32 $_tile_overlayer_lowered  }
0x9b: {  	s22 =	simm.s32 $0x1BFF;
	s21 =	sshll.u32 s6, $0x1;
	s3 =	sadd.s32 s4, s19  }
0x9c: {  	s7 =	simm.s32 $0x0;
	s20 =	sshll.u32 s5, $0x1;
	s5 =	sadd.s32 s21, s3  }
0x9d: {  	[timem:s7], [sflag:s22] =	dma.local [hbm:s5], s20  }
0x9e: {  	_ =	swait.ge [sflag:s22], s20  }
0x9f: {  	s4 =	ssub.s32 $0x0, s20;
	[sflag:s22] =	ssyncset.done $0x0  }
0xa0: {  	[sflag:s22] =	ssyncadd.s32 s4;
	_ =	sdelay $0x1  }
0xa1: {  	s23 =	simm.s32 $0x1B8B  }
0xa2: {  	_ =	swait.ge [sflag:s23], $0x1  }
0xa3: {  	[sflag:s23] =	ssyncset.done $0x0  }
0xa4: {  	s25 =	simm.s32 $0x1B8E;
	s24 =	sld [smem:$0x3FFE];
	[sflag:s23] =	ssyncadd.s32 $0xFFFFFFFF  }
0xa5: {  	s26 =	simm.s32 $execute0_lowered;
	[smem:$0x3FD2] =	sst s25  }
0xa6: {  	s5 =	sshll.u32 s26, $0x1;
	_ =	strace $0x80000052;
	[dreg:$0x1] =	wrdreg $0xFFFFFFFF  }
0xa7: {  	s28 =	simm.s32 $_size_execute0_lowered;
	s3 =	sadd.s32 s3, s5;
	[dreg:$0x0] =	wrdreg $0x0  }
0xa8: {  	s5 =	sshll.u32 s28, $0x1;
	[dreg:$0x2] =	wrdreg s3  }
0xa9: {  	[dreg:$0x3] =	wrdreg s5  }
0xaa: {  	[dreg:$0x4] =	wrdreg $0xC0  }
0xab: {  	_ =	task [dreg:s7], $0x5FFFF  }
0xac: {  	[dreg:$0x1] =	wrdreg $0xFFFFFFFF  }
0xad: {  	[dreg:$0x0] =	wrdreg $0x60  }
0xae: {  	[dreg:$0x2] =	wrdreg s24  }
0xaf: {  	[dreg:$0x3] =	wrdreg s2  }
0xb0: {  	[dreg:$0x4] =	wrdreg $0x90000  }
0xb1: {  	[dreg:$0x5] =	wrdreg $0x9  }
0xb2: {  	_ =	task.clear_ibuf [dreg:s7], $0x6FFFF;
	_ =	strace $0x90000052  }
0xb3: {  	s29 =	simm.s32 $0x9;
	_ =	strace $0x80000054  }
0xb4: {  	_ =	swait.ge [sflag:s29], $0x1  }
0xb5: {  	[sflag:s29] =	ssyncadd.s32 $0xFFFFFFFF  }
0xb6: {  	_ =	strace $0x90000054  }
0xb7: {  	_ =	sfence  }
0xb8: {  	s30 =	sld [smem:$0x0];
	_ =	sdelay $0x2  }
0xb9: {  	s31 =	sshll.u32 s1, $0xD;
	s1 =	sshrl.u32 s1, $0x2  }
0xba: {  	s3 =	sand.u32 $0x4000, s31;
	s1 =	sadd.s32 s1, s30  }
0xbb: {  	s0 =	sor.u32 s3, s0;
	s1 =	sshll.u32 s1, $0x11  }
0xbc: {  	s0 =	sor.u32 s1, s0  }
0xbd: {  	s0 =	sadd.s32 $0x8F2B, s0  }
0xbe: {  	[sflag:s0] =	ssyncadd.remote.s32 $0x1  }
0xbf: {  	_ =	sfence.sel $0xFFFF  }
0xc0: {  	[dreg:$0x0] =	wrdreg $0xFFFFFFFF;
	(pc) =	sbr.abs _section_cstart, $3  }
0xc1: {  	[dreg:$0x1] =	wrdreg $0xFFFFFFFF  }
0xc2: {  	_ =	task.clear_ibuf [dreg:s7], $0x2FFFF;
	_ =	strace $0x9FFFFFFF  }
0xc3: {  	(tm) =	ssettm $0x7FFFFFFF  }
tec
execute0_lowered:
.L_overlay_start_1:
0x0: {  	(tag) =	ssettag $0x1  }
0x1: {  	s5 =	rddreg [dreg:$0x0]  }
0x2: {  	s0 =	srdreg.scid;
	s7 =	rddreg [dreg:$0x1]  }
0x3: {  	s2 =	rddreg [dreg:$0x2];
	s3 =	simm.s32 $0x0;
	s15 =	simm.s32 $0x5000  }
0x4: {  	s16 =	simm.s32 $0x1;
	s6 =	sand.u32 $0x1, s0;
	s0 =	stileid.u32  }
0x5: {  	s17 =	simm.s32 $0x0;
	[smem:$0x7FF] =	sst s3;
	s9 =	smul.u32 $0x14000, s0  }
0x6: {  	s1 =	sshll.u32 s6, $0x4;
	s10 =	smul.u32 $0x140000, s6;
	s6 =	ssub.s32 $0x2, s6  }
0x7: {  	s29 =	smul.u32 $0x50000, s0;
	s31 =	sshll.u32 s0, $0x6;
	s4 =	sor.u32 s0, s1  }
0x8: {  	s1 =	rddreg [dreg:$0x3];
	_ =	strace $0x80000053;
	s13 =	sshrl.u32 s6, $0x1  }
0x9: {  	s8 =	smul.u32 $0x500, s4;
	s4 =	sadd.s32 $0xE400, s5;
	s12 =	sshrl.u32 s9, $0x3  }
0xa: {  	s9 =	sadd.s32 s9, s10;
	s13 =	ssub.s32 s6, s13;
	s30 =	sshrl.u32 s29, $0x2  }
0xb: {  	s6 =	sor.u32 $0x1C02, s31;
	s12 =	sadd.s32 s12, s5;
	s9 =	sshrl.u32 s9, $0x3  }
0xc: {  	s14 =	sadd.s32 s30, s2;
	s10 =	smax.u32 s13, $0x1;
	s13 =	simm.s32 $0x2800  }
0xd: {  	s11 =	sadd.s32 s8, s5;
	s9 =	sadd.s32 s9, s5;
	s5 =	sadd.s32 $0x36400, s12  }
0xe: {  	s7 =	sadd.s32 s7, s8;
	s12 =	simm.s32 $0x2;
	s8 =	sadd.s32 $0x4400, s11  }
0xf: {  	s9 =	sadd.s32 $0x5E400, s9;
	s11 =	sshrl.u32 s14, $0x3;
	s14 =	simm.s32 $0x80  }
.LBB2_1:
0x10: {  	[spmem:s11], [sflag:s6] =	dma.local [hbm:s5], $0x2800  }
0x11: {  	_ =	swait.ge [sflag:s12], $0x2800  }
0x12: {  	[sflag:s12] =	ssyncset.done $0x0  }
0x13: {  	[sflag:s12] =	ssyncadd.s32 $0xFFFFD800  }
0x14: {  	[tilespmem:s3], [sflag:$0x2] =	stream.linear.gather [hbm4b:s7+s3], $0x2780, $0x38;
	[tilespmem:$0x1D000] =	vst v63  }
0x15: {  	_ =	swait.ge [sflag:s12], $0x2780  }
0x16: {  	[sflag:s12] =	ssyncset.done $0x0  }
0x17: {  	[sflag:s12] =	ssyncadd.s32 $0xFFFFD880  }
0x18: {  	[tilespmem:s13], [sflag:$0x2] =	stream.linear.gather [hbm4b:s8+s3], $0x2780, $0x38;
	[tilespmem:$0x1D000] =	vst v63  }
0x19: {  	_ =	swait.ge [sflag:s12], $0x2780  }
0x1a: {  	[sflag:s12] =	ssyncset.done $0x0  }
0x1b: {  	[sflag:s12] =	ssyncadd.s32 $0xFFFFD880  }
0x1c: {  	s18 =	simm.s32 $0x0;
	[bflag:$0x0] =	sbarrier.arrive $0xFFFF  }
0x1d: {  	[tilespmem:s15], [sflag:$0x1] =	stream.indirect.gather [hbm4b:s4+s14], $0x80, s18, s14, $0xb8;
	[tilespmem:$0x1D000] =	vst v63  }
0x1e: {  	_ =	swait.ge [sflag:s16], $0x4000  }
0x1f: {  	[sflag:s16] =	ssyncset.done $0x0  }
0x20: {  	s31 =	simm.s32 $0x2800;
	[sflag:s16] =	ssyncadd.s32 $0xFFFFC000  }
0x21: {  	[spmem:s2] =	stream.indirect.scatter.add.f32 [tilespmem:s15], [sflag:$0x2], $0x80, s31, s14, $0xb8;
	[tilespmem:$0x1D000] =	vst v63  }
0x22: {  	_ =	swait.ge [sflag:s12], $0x4000  }
0x23: {  	s19 =	simm.s32 $0x400;
	s18 =	simm.s32 $0x200;
	[sflag:s12] =	ssyncset.done $0x0  }
.LBB2_2:
0x24: {  	s20 =	sshra.s32 s18, $0x2  }
0x25: {  	[sflag:s12] =	ssyncadd.s32 $0xFFFFC000;
	s18 =	smov.u32 s19;
	s21 =	sadd.s32 $0x200, s19  }
0x26: {  	[tilespmem:s15], [sflag:$0x1] =	stream.indirect.gather [hbm4b:s4+s14], $0x80, s20, s14, $0xb8;
	[tilespmem:$0x1D000] =	vst v63  }
0x27: {  	p0 =	sne.s32 s19, $0x9C00;
	_ =	swait.ge [sflag:s16], $0x4000  }
.Ltmp0:
0x28: {  	[sflag:s16] =	ssyncset.done $0x0;
	(pc) =	sbr.rel @p0 .LBB2_2-.Ltmp0, $4  }
0x29: {  	s19 =	sadd.s32 $0x2800, s20;
	[sflag:s16] =	ssyncadd.s32 $0xFFFFC000  }
0x2a: {  	[spmem:s2] =	stream.indirect.scatter.add.f32 [tilespmem:s15], [sflag:$0x2], $0x80, s19, s14, $0xb8;
	[tilespmem:$0x1D000] =	vst v63  }
0x2b: {  	_ =	swait.ge [sflag:s12], $0x4000  }
0x2c: {  	s19 =	smov.u32 s21;
	[sflag:s12] =	ssyncset.done $0x0  }
0x2d: {  	s18 =	sshra.s32 s18, $0x2;
	[sflag:s12] =	ssyncadd.s32 $0xFFFFC000  }
0x2e: {  	[tilespmem:s15], [sflag:$0x1] =	stream.indirect.gather [hbm4b:s4+s14], $0x80, s18, s14, $0xb8;
	[tilespmem:$0x1D000] =	vst v63  }
0x2f: {  	_ =	swait.ge [sflag:s16], $0x4000  }
0x30: {  	[sflag:s16] =	ssyncset.done $0x0  }
0x31: {  	s18 =	sadd.s32 $0x2800, s18;
	[sflag:s16] =	ssyncadd.s32 $0xFFFFC000  }
0x32: {  	[spmem:s2] =	stream.indirect.scatter.add.f32 [tilespmem:s15], [sflag:$0x2], $0x80, s18, s14, $0xb8;
	[tilespmem:$0x1D000] =	vst v63  }
0x33: {  	_ =	swait.ge [sflag:s12], $0x4000  }
0x34: {  	s17 =	sadd.s32 $0x1, s17;
	[sflag:s12] =	ssyncset.done $0x0  }
0x35: {  	p0 =	sne.s32 s17, s10;
	[sflag:s12] =	ssyncadd.s32 $0xFFFFC000  }
.Ltmp1:
0x36: {  	[bflag:$0x0] =	sbarrier.arrive $0xFFFF;
	(pc) =	sbr.rel @p0 .LBB2_1-.Ltmp1, $4  }
0x37: {  	[hbm:s9], [sflag:s6] =	dma.local [spmem:s11], $0x2800  }
0x38: {  	_ =	swait.ge [sflag:s12], $0x2800  }
0x39: {  	[sflag:s12] =	ssyncset.done $0x0  }
0x3a: {  	[sflag:s12] =	ssyncadd.s32 $0xFFFFD800  }
0x3b: {  	_ =	sfence.sel $0x180000  }
0x3c: {  	[bflag:$0x0] =	sbarrier.arrive $0xFFFF  }
0x3d: {  	p0 =	sne.s32 s0, $0x0;
	_ =	strace $0x90000053  }
0x3e: {  	s0 =	sadd.s32 @!p0 $0x100000, s1;
	[bflag:$0x2] =	sbarrier.arrive $0xFFFF  }
0x3f: {  	[sflag:s0] =	ssyncadd.tile.s32 @!p0 $0x1;
	_ =	shalt  }
.Lfunc_end2:
_tile_overlayer_lowered:
.L_overlay_start_2:
0x40: {  	(tag) =	ssettag $0x2  }
0x41: {  	s0 =	rddreg [dreg:$0x0];
	s2 =	stileid.u32  }
0x42: {  	s1 =	rddreg [dreg:$0x1];
	p0 =	sne.s32 s2, $0x0  }
0x43: {  	s3 =	rddreg [dreg:$0x2];
	[bflag:$0x3] =	sbarrier.arrive $0xFFFF;
	s2 =	simm.s32 @!p0 $0x1C02  }
0x44: {  	[timem:s3], [sflag:s2] =	dma.local @!p0 [hbm:s0], s1  }
0x45: {  	s0 =	simm.s32 @!p0 $0x2  }
0x46: {  	_ =	swait.ge @!p0 [sflag:s0], s1  }
0x47: {  	s1 =	ssub.s32 @!p0 $0x0, s1;
	[sflag:s0] =	ssyncset.done @!p0 $0x0  }
0x48: {  	[sflag:s0] =	ssyncadd.s32 @!p0 s1  }
0x49: {  	[bflag:$0x3] =	sbarrier.arrive $0xFFFF  }
0x4a: {  	_ =	shalt  }

</sc_bundles>
